<compile_context>
chip_gen: v7x
topology: tpu7x:2x2x1
jax: 0.10.2.dev20260603
libtpu: 0.0.44.dev20260713+nightly
codegen_flags: <defaults>
</compile_context>

<pallas_src>
import functools

import jax
import jax.numpy as jnp
from jax import lax
from jax.experimental import pallas as pl
from jax.experimental.pallas import tpu as pltpu
from jax.experimental.pallas import tpu_sc as plsc

_B = 4096
_L = 200
_D = 64
_NW = 32
_BROWS = _B // _NW
_CHUNK = 40
_NCH = _L // _CHUNK
_NBUF = 4


def _sc_embed(seq, token_table, pos_table):
    mesh = plsc.VectorSubcoreMesh(core_axis_name="c", subcore_axis_name="s")

    @functools.partial(
        pl.kernel,
        mesh=mesh,
        compiler_params=pltpu.CompilerParams(use_tc_tiling_on_sc=False),
        out_type=jax.ShapeDtypeStruct((_B, _L, _D), jnp.float32),
        scratch_types=[
            pltpu.VMEM((_BROWS, _L), jnp.int32),
            pltpu.VMEM((_L, _D), jnp.float32),
            pltpu.VMEM((_NBUF, _L, _D), jnp.float32),
        ]
        + [pltpu.SemaphoreType.DMA] * (2 * _NBUF),
    )
    def k(table_hbm, idx_hbm, pos_hbm, out_hbm, idx_v, pos_v, rows_v, *sems):
        gsems = sems[:_NBUF]
        wsems = sems[_NBUF:]
        wid = lax.axis_index("s") * 2 + lax.axis_index("c")
        base_b = wid * _BROWS
        pltpu.sync_copy(idx_hbm.at[pl.ds(base_b, _BROWS)], idx_v)
        pltpu.sync_copy(pos_hbm, pos_v)

        def start_gather(g, b):
            for c in range(_NCH):
                pltpu.async_copy(
                    table_hbm.at[idx_v.at[g, pl.ds(c * _CHUNK, _CHUNK)]],
                    rows_v.at[b, pl.ds(c * _CHUNK, _CHUNK)], gsems[b])

        def wait_gather(b):
            for c in range(_NCH):
                pltpu.make_async_copy(
                    table_hbm.at[idx_v.at[0, pl.ds(0, _CHUNK)]],
                    rows_v.at[b, pl.ds(c * _CHUNK, _CHUNK)], gsems[b]).wait()

        def start_write(g, b):
            pltpu.async_copy(rows_v.at[b], out_hbm.at[base_b + g], wsems[b])

        def wait_write(b):
            pltpu.make_async_copy(rows_v.at[b], out_hbm.at[0], wsems[b]).wait()

        def add_pos(b):
            @plsc.parallel_loop(0, _L, unroll=4)
            def _addrow(r):
                for j in range(_D // 16):
                    sl = pl.ds(j * 16, 16)
                    rows_v[b, r, sl] = rows_v[b, r, sl] + pos_v[r, sl]

        for b in range(_NBUF - 1):
            start_gather(b, b)

        def outer(oi, carry):
            for b in range(_NBUF):
                g = oi * _NBUF + b
                b3 = (b + _NBUF - 1) % _NBUF

                @pl.when(g >= 1)
                def _():
                    wait_write(b3)

                @pl.when(g + _NBUF - 1 < _BROWS)
                def _():
                    start_gather(g + _NBUF - 1, b3)

                wait_gather(b)
                add_pos(b)
                start_write(g, b)
            return carry

        lax.fori_loop(0, _BROWS // _NBUF, outer, 0)
        wait_write((_BROWS - 1) % _NBUF)

    return k(token_table, seq, pos_table)


def kernel(seq, token_table, pos_table):
    return _sc_embed(seq.astype(jnp.int32), token_table, pos_table)

# --- scband reference (transcript-rebuilt; emitter-appended) ---
"""Pipeline reference for scband-seq-embedding-20581483282808 (READ-ONLY COPY).

The authoritative reference and input builder live on the scoring server;
editing this copy changes nothing except your own understanding.
"""

import jax, jax.numpy as jnp
import numpy as np

VOCAB_SIZE = 1000000
MAX_LENGTH = 200
EMBED_DIM = 64
BATCH = 4096

def setup_inputs(seed: int = 0) -> dict:
    key = jax.random.key(seed)
    k1, k2, k3 = jax.random.split(key, 3)
    seq = jax.random.randint(k1, (BATCH, MAX_LENGTH), 0, VOCAB_SIZE, dtype=jnp.int64 if jax.config.jax_enable_x64 else jnp.int32)
    # Keras Embedding default init is uniform(-0.05, 0.05)
    token_table = jax.random.uniform(k2, (VOCAB_SIZE, EMBED_DIM), dtype=jnp.float32, minval=-0.05, maxval=0.05)
    pos_table = jax.random.uniform(k3, (MAX_LENGTH, EMBED_DIM), dtype=jnp.float32, minval=-0.05, maxval=0.05)
    return {"seq": seq, "token_table": token_table, "pos_table": pos_table}

def reference(seq, token_table, pos_table):
    # token embedding lookup: [B, L, D]
    seq_token = jnp.take(token_table, seq, axis=0)
    # positional embedding for positions 0..L-1: [1, L, D]
    L = seq.shape[1]
    seq_pos = jnp.take(pos_table, jnp.arange(L), axis=0)[jnp.newaxis, :, :]
    # add (broadcast over batch)
    return seq_token + seq_pos

if __name__ == "__main__":
    import jax
    _d = setup_inputs()
    print(jax.jit(kernel)(*tuple(_d.values())))

</pallas_src>

<mosaic_0001>
#map = affine_map<(d0, d1) -> (0, 0)>
#map1 = affine_map<(d0, d1) -> (0, 0, 0)>
module attributes {stable_mosaic.version = 14 : i64} {
  func.func @k(%arg0: i32, %arg1: i32, %arg2: memref<1000000x64xf32, #tpu.memory_space<hbm>>, %arg3: memref<4096x200xi32, #tpu.memory_space<hbm>>, %arg4: memref<200x64xf32, #tpu.memory_space<hbm>>, %arg5: memref<4096x200x64xf32, #tpu.memory_space<hbm>>, %arg6: memref<128x200xi32, #tpu.memory_space<vmem>>, %arg7: memref<200x64xf32, #tpu.memory_space<vmem>>, %arg8: memref<4x200x64xf32, #tpu.memory_space<vmem>>, %arg9: memref<!tpu.dma_semaphore, #tpu.memory_space<semaphore_mem>>, %arg10: memref<!tpu.dma_semaphore, #tpu.memory_space<semaphore_mem>>, %arg11: memref<!tpu.dma_semaphore, #tpu.memory_space<semaphore_mem>>, %arg12: memref<!tpu.dma_semaphore, #tpu.memory_space<semaphore_mem>>, %arg13: memref<!tpu.dma_semaphore, #tpu.memory_space<semaphore_mem>>, %arg14: memref<!tpu.dma_semaphore, #tpu.memory_space<semaphore_mem>>, %arg15: memref<!tpu.dma_semaphore, #tpu.memory_space<semaphore_mem>>, %arg16: memref<!tpu.dma_semaphore, #tpu.memory_space<semaphore_mem>>) attributes {dimension_semantics = [#tpu.dimension_semantics<core_parallel>, #tpu.dimension_semantics<subcore_parallel>], iteration_bounds = array<i64: 2, 16>, scalar_prefetch = 0 : i64, scratch_operands = 11 : i64, tpu.core_type = #tpu.core_type<sc_vector_subcore>, window_params = [{transform_indices = #map}, {transform_indices = #map}, {transform_indices = #map}, {transform_indices = #map1}]} {
    %mul3A = arith.constant 2 : i32
    %mul3A_0 = arith.muli %arg1, %mul3A : i32
    %add3A = arith.addi %mul3A_0, %arg0 : i32
    %mul3A_1 = arith.constant 128 : i32
    %mul3A_2 = arith.muli %add3A, %mul3A_1 : i32
    "tpu.region"() ({
      %run_scoped3A = tpu.sem_alloc : memref<!tpu.dma_semaphore, #tpu.memory_space<semaphore_mem>>
      %dma_start3A_204 = arith.constant 0 : i32
      %dma_start3A_205 = tpu.memref_slice %arg3[%mul3A_2, %dma_start3A_204] : memref<4096x200xi32, #tpu.memory_space<hbm>> -> memref<128x200xi32, #tpu.memory_space<hbm>>
      %dma_start3A_206 = arith.constant 0 : i32
      %dma_start3A_207 = tpu.memref_slice %arg3[%mul3A_2, %dma_start3A_206] : memref<4096x200xi32, #tpu.memory_space<hbm>> -> memref<128x200xi32, #tpu.memory_space<hbm>>
      tpu.enqueue_dma source(%dma_start3A_207 : memref<128x200xi32, #tpu.memory_space<hbm>>) target(%arg6 : memref<128x200xi32, #tpu.memory_space<vmem>>) target_semaphore(%run_scoped3A : memref<!tpu.dma_semaphore, #tpu.memory_space<semaphore_mem>>)
      %dma_wait3A_208 = arith.constant 0 : i32
      %dma_wait3A_209 = tpu.memref_slice %arg3[%mul3A_2, %dma_wait3A_208] : memref<4096x200xi32, #tpu.memory_space<hbm>> -> memref<128x200xi32, #tpu.memory_space<hbm>>
      %dma_wait3A_210 = arith.constant 0 : i32
      %dma_wait3A_211 = tpu.memref_slice %arg3[%mul3A_2, %dma_wait3A_210] : memref<4096x200xi32, #tpu.memory_space<hbm>> -> memref<128x200xi32, #tpu.memory_space<hbm>>
      tpu.wait_dma2 semaphore(%run_scoped3A : memref<!tpu.dma_semaphore, #tpu.memory_space<semaphore_mem>>) src(%dma_wait3A_211 : memref<128x200xi32, #tpu.memory_space<hbm>>) dst(%arg6 : memref<128x200xi32, #tpu.memory_space<vmem>>)
      tpu.yield
    }) : () -> ()
    "tpu.region"() ({
      %run_scoped3A = tpu.sem_alloc : memref<!tpu.dma_semaphore, #tpu.memory_space<semaphore_mem>>
      tpu.enqueue_dma source(%arg4 : memref<200x64xf32, #tpu.memory_space<hbm>>) target(%arg7 : memref<200x64xf32, #tpu.memory_space<vmem>>) target_semaphore(%run_scoped3A : memref<!tpu.dma_semaphore, #tpu.memory_space<semaphore_mem>>)
      tpu.wait_dma2 semaphore(%run_scoped3A : memref<!tpu.dma_semaphore, #tpu.memory_space<semaphore_mem>>) src(%arg4 : memref<200x64xf32, #tpu.memory_space<hbm>>) dst(%arg7 : memref<200x64xf32, #tpu.memory_space<vmem>>)
      tpu.yield
    }) : () -> ()
    %dma_start3A = arith.constant 0 : i32
    %dma_start3A_3 = arith.constant 0 : i32
    %dma_start3A_4 = arith.constant 0 : i32
    %dma_start3A_5 = arith.constant 0 : i32
    %dma_start3A_6 = tpu.memref_slice %arg8[%dma_start3A_3, %dma_start3A_4, %dma_start3A_5] : memref<4x200x64xf32, #tpu.memory_space<vmem>> -> memref<1x40x64xf32, #tpu.memory_space<vmem>>
    %dma_start3A_7 = tpu.memref_squeeze %dma_start3A_6 : memref<1x40x64xf32, #tpu.memory_space<vmem>> -> memref<40x64xf32, #tpu.memory_space<vmem>>
    %dma_start3A_8 = arith.constant 0 : i32
    %dma_start3A_9 = tpu.memref_slice %arg6[%dma_start3A, %dma_start3A_8] : memref<128x200xi32, #tpu.memory_space<vmem>> -> memref<1x40xi32, #tpu.memory_space<vmem>>
    %dma_start3A_10 = tpu.memref_squeeze %dma_start3A_9 : memref<1x40xi32, #tpu.memory_space<vmem>> -> memref<40xi32, #tpu.memory_space<vmem>>
    %dma_start3A_11 = arith.constant 0 : i32
    %dma_start3A_12 = arith.constant 0 : i32
    %dma_start3A_13 = tpu.memref_slice %arg2[%dma_start3A_11, %dma_start3A_12] : memref<1000000x64xf32, #tpu.memory_space<hbm>> -> memref<1000000x64xf32, #tpu.memory_space<hbm>>
    tpu.enqueue_indirect_dma source(%dma_start3A_13 : memref<1000000x64xf32, #tpu.memory_space<hbm>>) target(%dma_start3A_7 : memref<40x64xf32, #tpu.memory_space<vmem>>) offsets(%dma_start3A_10 : memref<40xi32, #tpu.memory_space<vmem>>) semaphore(%arg9 : memref<!tpu.dma_semaphore, #tpu.memory_space<semaphore_mem>>)
    %dma_start3A_14 = arith.constant 0 : i32
    %dma_start3A_15 = arith.constant 0 : i32
    %dma_start3A_16 = arith.constant 40 : i32
    %dma_start3A_17 = arith.constant 0 : i32
    %dma_start3A_18 = tpu.memref_slice %arg8[%dma_start3A_15, %dma_start3A_16, %dma_start3A_17] : memref<4x200x64xf32, #tpu.memory_space<vmem>> -> memref<1x40x64xf32, #tpu.memory_space<vmem>>
    %dma_start3A_19 = tpu.memref_squeeze %dma_start3A_18 : memref<1x40x64xf32, #tpu.memory_space<vmem>> -> memref<40x64xf32, #tpu.memory_space<vmem>>
    %dma_start3A_20 = arith.constant 40 : i32
    %dma_start3A_21 = tpu.memref_slice %arg6[%dma_start3A_14, %dma_start3A_20] : memref<128x200xi32, #tpu.memory_space<vmem>> -> memref<1x40xi32, #tpu.memory_space<vmem>>
    %dma_start3A_22 = tpu.memref_squeeze %dma_start3A_21 : memref<1x40xi32, #tpu.memory_space<vmem>> -> memref<40xi32, #tpu.memory_space<vmem>>
    %dma_start3A_23 = arith.constant 0 : i32
    %dma_start3A_24 = arith.constant 0 : i32
    %dma_start3A_25 = tpu.memref_slice %arg2[%dma_start3A_23, %dma_start3A_24] : memref<1000000x64xf32, #tpu.memory_space<hbm>> -> memref<1000000x64xf32, #tpu.memory_space<hbm>>
    tpu.enqueue_indirect_dma source(%dma_start3A_25 : memref<1000000x64xf32, #tpu.memory_space<hbm>>) target(%dma_start3A_19 : memref<40x64xf32, #tpu.memory_space<vmem>>) offsets(%dma_start3A_22 : memref<40xi32, #tpu.memory_space<vmem>>) semaphore(%arg9 : memref<!tpu.dma_semaphore, #tpu.memory_space<semaphore_mem>>)
    %dma_start3A_26 = arith.constant 0 : i32
    %dma_start3A_27 = arith.constant 0 : i32
    %dma_start3A_28 = arith.constant 80 : i32
    %dma_start3A_29 = arith.constant 0 : i32
    %dma_start3A_30 = tpu.memref_slice %arg8[%dma_start3A_27, %dma_start3A_28, %dma_start3A_29] : memref<4x200x64xf32, #tpu.memory_space<vmem>> -> memref<1x40x64xf32, #tpu.memory_space<vmem>>
    %dma_start3A_31 = tpu.memref_squeeze %dma_start3A_30 : memref<1x40x64xf32, #tpu.memory_space<vmem>> -> memref<40x64xf32, #tpu.memory_space<vmem>>
    %dma_start3A_32 = arith.constant 80 : i32
    %dma_start3A_33 = tpu.memref_slice %arg6[%dma_start3A_26, %dma_start3A_32] : memref<128x200xi32, #tpu.memory_space<vmem>> -> memref<1x40xi32, #tpu.memory_space<vmem>>
    %dma_start3A_34 = tpu.memref_squeeze %dma_start3A_33 : memref<1x40xi32, #tpu.memory_space<vmem>> -> memref<40xi32, #tpu.memory_space<vmem>>
    %dma_start3A_35 = arith.constant 0 : i32
    %dma_start3A_36 = arith.constant 0 : i32
    %dma_start3A_37 = tpu.memref_slice %arg2[%dma_start3A_35, %dma_start3A_36] : memref<1000000x64xf32, #tpu.memory_space<hbm>> -> memref<1000000x64xf32, #tpu.memory_space<hbm>>
    tpu.enqueue_indirect_dma source(%dma_start3A_37 : memref<1000000x64xf32, #tpu.memory_space<hbm>>) target(%dma_start3A_31 : memref<40x64xf32, #tpu.memory_space<vmem>>) offsets(%dma_start3A_34 : memref<40xi32, #tpu.memory_space<vmem>>) semaphore(%arg9 : memref<!tpu.dma_semaphore, #tpu.memory_space<semaphore_mem>>)
    %dma_start3A_38 = arith.constant 0 : i32
    %dma_start3A_39 = arith.constant 0 : i32
    %dma_start3A_40 = arith.constant 120 : i32
    %dma_start3A_41 = arith.constant 0 : i32
    %dma_start3A_42 = tpu.memref_slice %arg8[%dma_start3A_39, %dma_start3A_40, %dma_start3A_41] : memref<4x200x64xf32, #tpu.memory_space<vmem>> -> memref<1x40x64xf32, #tpu.memory_space<vmem>>
    %dma_start3A_43 = tpu.memref_squeeze %dma_start3A_42 : memref<1x40x64xf32, #tpu.memory_space<vmem>> -> memref<40x64xf32, #tpu.memory_space<vmem>>
    %dma_start3A_44 = arith.constant 120 : i32
    %dma_start3A_45 = tpu.memref_slice %arg6[%dma_start3A_38, %dma_start3A_44] : memref<128x200xi32, #tpu.memory_space<vmem>> -> memref<1x40xi32, #tpu.memory_space<vmem>>
    %dma_start3A_46 = tpu.memref_squeeze %dma_start3A_45 : memref<1x40xi32, #tpu.memory_space<vmem>> -> memref<40xi32, #tpu.memory_space<vmem>>
    %dma_start3A_47 = arith.constant 0 : i32
    %dma_start3A_48 = arith.constant 0 : i32
    %dma_start3A_49 = tpu.memref_slice %arg2[%dma_start3A_47, %dma_start3A_48] : memref<1000000x64xf32, #tpu.memory_space<hbm>> -> memref<1000000x64xf32, #tpu.memory_space<hbm>>
    tpu.enqueue_indirect_dma source(%dma_start3A_49 : memref<1000000x64xf32, #tpu.memory_space<hbm>>) target(%dma_start3A_43 : memref<40x64xf32, #tpu.memory_space<vmem>>) offsets(%dma_start3A_46 : memref<40xi32, #tpu.memory_space<vmem>>) semaphore(%arg9 : memref<!tpu.dma_semaphore, #tpu.memory_space<semaphore_mem>>)
    %dma_start3A_50 = arith.constant 0 : i32
    %dma_start3A_51 = arith.constant 0 : i32
    %dma_start3A_52 = arith.constant 160 : i32
    %dma_start3A_53 = arith.constant 0 : i32
    %dma_start3A_54 = tpu.memref_slice %arg8[%dma_start3A_51, %dma_start3A_52, %dma_start3A_53] : memref<4x200x64xf32, #tpu.memory_space<vmem>> -> memref<1x40x64xf32, #tpu.memory_space<vmem>>
    %dma_start3A_55 = tpu.memref_squeeze %dma_start3A_54 : memref<1x40x64xf32, #tpu.memory_space<vmem>> -> memref<40x64xf32, #tpu.memory_space<vmem>>
    %dma_start3A_56 = arith.constant 160 : i32
    %dma_start3A_57 = tpu.memref_slice %arg6[%dma_start3A_50, %dma_start3A_56] : memref<128x200xi32, #tpu.memory_space<vmem>> -> memref<1x40xi32, #tpu.memory_space<vmem>>
    %dma_start3A_58 = tpu.memref_squeeze %dma_start3A_57 : memref<1x40xi32, #tpu.memory_space<vmem>> -> memref<40xi32, #tpu.memory_space<vmem>>
    %dma_start3A_59 = arith.constant 0 : i32
    %dma_start3A_60 = arith.constant 0 : i32
    %dma_start3A_61 = tpu.memref_slice %arg2[%dma_start3A_59, %dma_start3A_60] : memref<1000000x64xf32, #tpu.memory_space<hbm>> -> memref<1000000x64xf32, #tpu.memory_space<hbm>>
    tpu.enqueue_indirect_dma source(%dma_start3A_61 : memref<1000000x64xf32, #tpu.memory_space<hbm>>) target(%dma_start3A_55 : memref<40x64xf32, #tpu.memory_space<vmem>>) offsets(%dma_start3A_58 : memref<40xi32, #tpu.memory_space<vmem>>) semaphore(%arg9 : memref<!tpu.dma_semaphore, #tpu.memory_space<semaphore_mem>>)
    %dma_start3A_62 = arith.constant 1 : i32
    %dma_start3A_63 = arith.constant 1 : i32
    %dma_start3A_64 = arith.constant 0 : i32
    %dma_start3A_65 = arith.constant 0 : i32
    %dma_start3A_66 = tpu.memref_slice %arg8[%dma_start3A_63, %dma_start3A_64, %dma_start3A_65] : memref<4x200x64xf32, #tpu.memory_space<vmem>> -> memref<1x40x64xf32, #tpu.memory_space<vmem>>
    %dma_start3A_67 = tpu.memref_squeeze %dma_start3A_66 : memref<1x40x64xf32, #tpu.memory_space<vmem>> -> memref<40x64xf32, #tpu.memory_space<vmem>>
    %dma_start3A_68 = arith.constant 0 : i32
    %dma_start3A_69 = tpu.memref_slice %arg6[%dma_start3A_62, %dma_start3A_68] : memref<128x200xi32, #tpu.memory_space<vmem>> -> memref<1x40xi32, #tpu.memory_space<vmem>>
    %dma_start3A_70 = tpu.memref_squeeze %dma_start3A_69 : memref<1x40xi32, #tpu.memory_space<vmem>> -> memref<40xi32, #tpu.memory_space<vmem>>
    %dma_start3A_71 = arith.constant 0 : i32
    %dma_start3A_72 = arith.constant 0 : i32
    %dma_start3A_73 = tpu.memref_slice %arg2[%dma_start3A_71, %dma_start3A_72] : memref<1000000x64xf32, #tpu.memory_space<hbm>> -> memref<1000000x64xf32, #tpu.memory_space<hbm>>
    tpu.enqueue_indirect_dma source(%dma_start3A_73 : memref<1000000x64xf32, #tpu.memory_space<hbm>>) target(%dma_start3A_67 : memref<40x64xf32, #tpu.memory_space<vmem>>) offsets(%dma_start3A_70 : memref<40xi32, #tpu.memory_space<vmem>>) semaphore(%arg10 : memref<!tpu.dma_semaphore, #tpu.memory_space<semaphore_mem>>)
    %dma_start3A_74 = arith.constant 1 : i32
    %dma_start3A_75 = arith.constant 1 : i32
    %dma_start3A_76 = arith.constant 40 : i32
    %dma_start3A_77 = arith.constant 0 : i32
    %dma_start3A_78 = tpu.memref_slice %arg8[%dma_start3A_75, %dma_start3A_76, %dma_start3A_77] : memref<4x200x64xf32, #tpu.memory_space<vmem>> -> memref<1x40x64xf32, #tpu.memory_space<vmem>>
    %dma_start3A_79 = tpu.memref_squeeze %dma_start3A_78 : memref<1x40x64xf32, #tpu.memory_space<vmem>> -> memref<40x64xf32, #tpu.memory_space<vmem>>
    %dma_start3A_80 = arith.constant 40 : i32
    %dma_start3A_81 = tpu.memref_slice %arg6[%dma_start3A_74, %dma_start3A_80] : memref<128x200xi32, #tpu.memory_space<vmem>> -> memref<1x40xi32, #tpu.memory_space<vmem>>
    %dma_start3A_82 = tpu.memref_squeeze %dma_start3A_81 : memref<1x40xi32, #tpu.memory_space<vmem>> -> memref<40xi32, #tpu.memory_space<vmem>>
    %dma_start3A_83 = arith.constant 0 : i32
    %dma_start3A_84 = arith.constant 0 : i32
    %dma_start3A_85 = tpu.memref_slice %arg2[%dma_start3A_83, %dma_start3A_84] : memref<1000000x64xf32, #tpu.memory_space<hbm>> -> memref<1000000x64xf32, #tpu.memory_space<hbm>>
    tpu.enqueue_indirect_dma source(%dma_start3A_85 : memref<1000000x64xf32, #tpu.memory_space<hbm>>) target(%dma_start3A_79 : memref<40x64xf32, #tpu.memory_space<vmem>>) offsets(%dma_start3A_82 : memref<40xi32, #tpu.memory_space<vmem>>) semaphore(%arg10 : memref<!tpu.dma_semaphore, #tpu.memory_space<semaphore_mem>>)
    %dma_start3A_86 = arith.constant 1 : i32
    %dma_start3A_87 = arith.constant 1 : i32
    %dma_start3A_88 = arith.constant 80 : i32
    %dma_start3A_89 = arith.constant 0 : i32
    %dma_start3A_90 = tpu.memref_slice %arg8[%dma_start3A_87, %dma_start3A_88, %dma_start3A_89] : memref<4x200x64xf32, #tpu.memory_space<vmem>> -> memref<1x40x64xf32, #tpu.memory_space<vmem>>
    %dma_start3A_91 = tpu.memref_squeeze %dma_start3A_90 : memref<1x40x64xf32, #tpu.memory_space<vmem>> -> memref<40x64xf32, #tpu.memory_space<vmem>>
    %dma_start3A_92 = arith.constant 80 : i32
    %dma_start3A_93 = tpu.memref_slice %arg6[%dma_start3A_86, %dma_start3A_92] : memref<128x200xi32, #tpu.memory_space<vmem>> -> memref<1x40xi32, #tpu.memory_space<vmem>>
    %dma_start3A_94 = tpu.memref_squeeze %dma_start3A_93 : memref<1x40xi32, #tpu.memory_space<vmem>> -> memref<40xi32, #tpu.memory_space<vmem>>
    %dma_start3A_95 = arith.constant 0 : i32
    %dma_start3A_96 = arith.constant 0 : i32
    %dma_start3A_97 = tpu.memref_slice %arg2[%dma_start3A_95, %dma_start3A_96] : memref<1000000x64xf32, #tpu.memory_space<hbm>> -> memref<1000000x64xf32, #tpu.memory_space<hbm>>
    tpu.enqueue_indirect_dma source(%dma_start3A_97 : memref<1000000x64xf32, #tpu.memory_space<hbm>>) target(%dma_start3A_91 : memref<40x64xf32, #tpu.memory_space<vmem>>) offsets(%dma_start3A_94 : memref<40xi32, #tpu.memory_space<vmem>>) semaphore(%arg10 : memref<!tpu.dma_semaphore, #tpu.memory_space<semaphore_mem>>)
    %dma_start3A_98 = arith.constant 1 : i32
    %dma_start3A_99 = arith.constant 1 : i32
    %dma_start3A_100 = arith.constant 120 : i32
    %dma_start3A_101 = arith.constant 0 : i32
    %dma_start3A_102 = tpu.memref_slice %arg8[%dma_start3A_99, %dma_start3A_100, %dma_start3A_101] : memref<4x200x64xf32, #tpu.memory_space<vmem>> -> memref<1x40x64xf32, #tpu.memory_space<vmem>>
    %dma_start3A_103 = tpu.memref_squeeze %dma_start3A_102 : memref<1x40x64xf32, #tpu.memory_space<vmem>> -> memref<40x64xf32, #tpu.memory_space<vmem>>
    %dma_start3A_104 = arith.constant 120 : i32
    %dma_start3A_105 = tpu.memref_slice %arg6[%dma_start3A_98, %dma_start3A_104] : memref<128x200xi32, #tpu.memory_space<vmem>> -> memref<1x40xi32, #tpu.memory_space<vmem>>
    %dma_start3A_106 = tpu.memref_squeeze %dma_start3A_105 : memref<1x40xi32, #tpu.memory_space<vmem>> -> memref<40xi32, #tpu.memory_space<vmem>>
    %dma_start3A_107 = arith.constant 0 : i32
    %dma_start3A_108 = arith.constant 0 : i32
    %dma_start3A_109 = tpu.memref_slice %arg2[%dma_start3A_107, %dma_start3A_108] : memref<1000000x64xf32, #tpu.memory_space<hbm>> -> memref<1000000x64xf32, #tpu.memory_space<hbm>>
    tpu.enqueue_indirect_dma source(%dma_start3A_109 : memref<1000000x64xf32, #tpu.memory_space<hbm>>) target(%dma_start3A_103 : memref<40x64xf32, #tpu.memory_space<vmem>>) offsets(%dma_start3A_106 : memref<40xi32, #tpu.memory_space<vmem>>) semaphore(%arg10 : memref<!tpu.dma_semaphore, #tpu.memory_space<semaphore_mem>>)
    %dma_start3A_110 = arith.constant 1 : i32
    %dma_start3A_111 = arith.constant 1 : i32
    %dma_start3A_112 = arith.constant 160 : i32
    %dma_start3A_113 = arith.constant 0 : i32
    %dma_start3A_114 = tpu.memref_slice %arg8[%dma_start3A_111, %dma_start3A_112, %dma_start3A_113] : memref<4x200x64xf32, #tpu.memory_space<vmem>> -> memref<1x40x64xf32, #tpu.memory_space<vmem>>
    %dma_start3A_115 = tpu.memref_squeeze %dma_start3A_114 : memref<1x40x64xf32, #tpu.memory_space<vmem>> -> memref<40x64xf32, #tpu.memory_space<vmem>>
    %dma_start3A_116 = arith.constant 160 : i32
    %dma_start3A_117 = tpu.memref_slice %arg6[%dma_start3A_110, %dma_start3A_116] : memref<128x200xi32, #tpu.memory_space<vmem>> -> memref<1x40xi32, #tpu.memory_space<vmem>>
    %dma_start3A_118 = tpu.memref_squeeze %dma_start3A_117 : memref<1x40xi32, #tpu.memory_space<vmem>> -> memref<40xi32, #tpu.memory_space<vmem>>
    %dma_start3A_119 = arith.constant 0 : i32
    %dma_start3A_120 = arith.constant 0 : i32
    %dma_start3A_121 = tpu.memref_slice %arg2[%dma_start3A_119, %dma_start3A_120] : memref<1000000x64xf32, #tpu.memory_space<hbm>> -> memref<1000000x64xf32, #tpu.memory_space<hbm>>
    tpu.enqueue_indirect_dma source(%dma_start3A_121 : memref<1000000x64xf32, #tpu.memory_space<hbm>>) target(%dma_start3A_115 : memref<40x64xf32, #tpu.memory_space<vmem>>) offsets(%dma_start3A_118 : memref<40xi32, #tpu.memory_space<vmem>>) semaphore(%arg10 : memref<!tpu.dma_semaphore, #tpu.memory_space<semaphore_mem>>)
    %dma_start3A_122 = arith.constant 2 : i32
    %dma_start3A_123 = arith.constant 2 : i32
    %dma_start3A_124 = arith.constant 0 : i32
    %dma_start3A_125 = arith.constant 0 : i32
    %dma_start3A_126 = tpu.memref_slice %arg8[%dma_start3A_123, %dma_start3A_124, %dma_start3A_125] : memref<4x200x64xf32, #tpu.memory_space<vmem>> -> memref<1x40x64xf32, #tpu.memory_space<vmem>>
    %dma_start3A_127 = tpu.memref_squeeze %dma_start3A_126 : memref<1x40x64xf32, #tpu.memory_space<vmem>> -> memref<40x64xf32, #tpu.memory_space<vmem>>
    %dma_start3A_128 = arith.constant 0 : i32
    %dma_start3A_129 = tpu.memref_slice %arg6[%dma_start3A_122, %dma_start3A_128] : memref<128x200xi32, #tpu.memory_space<vmem>> -> memref<1x40xi32, #tpu.memory_space<vmem>>
    %dma_start3A_130 = tpu.memref_squeeze %dma_start3A_129 : memref<1x40xi32, #tpu.memory_space<vmem>> -> memref<40xi32, #tpu.memory_space<vmem>>
    %dma_start3A_131 = arith.constant 0 : i32
    %dma_start3A_132 = arith.constant 0 : i32
    %dma_start3A_133 = tpu.memref_slice %arg2[%dma_start3A_131, %dma_start3A_132] : memref<1000000x64xf32, #tpu.memory_space<hbm>> -> memref<1000000x64xf32, #tpu.memory_space<hbm>>
    tpu.enqueue_indirect_dma source(%dma_start3A_133 : memref<1000000x64xf32, #tpu.memory_space<hbm>>) target(%dma_start3A_127 : memref<40x64xf32, #tpu.memory_space<vmem>>) offsets(%dma_start3A_130 : memref<40xi32, #tpu.memory_space<vmem>>) semaphore(%arg11 : memref<!tpu.dma_semaphore, #tpu.memory_space<semaphore_mem>>)
    %dma_start3A_134 = arith.constant 2 : i32
    %dma_start3A_135 = arith.constant 2 : i32
    %dma_start3A_136 = arith.constant 40 : i32
    %dma_start3A_137 = arith.constant 0 : i32
    %dma_start3A_138 = tpu.memref_slice %arg8[%dma_start3A_135, %dma_start3A_136, %dma_start3A_137] : memref<4x200x64xf32, #tpu.memory_space<vmem>> -> memref<1x40x64xf32, #tpu.memory_space<vmem>>
    %dma_start3A_139 = tpu.memref_squeeze %dma_start3A_138 : memref<1x40x64xf32, #tpu.memory_space<vmem>> -> memref<40x64xf32, #tpu.memory_space<vmem>>
    %dma_start3A_140 = arith.constant 40 : i32
    %dma_start3A_141 = tpu.memref_slice %arg6[%dma_start3A_134, %dma_start3A_140] : memref<128x200xi32, #tpu.memory_space<vmem>> -> memref<1x40xi32, #tpu.memory_space<vmem>>
    %dma_start3A_142 = tpu.memref_squeeze %dma_start3A_141 : memref<1x40xi32, #tpu.memory_space<vmem>> -> memref<40xi32, #tpu.memory_space<vmem>>
    %dma_start3A_143 = arith.constant 0 : i32
    %dma_start3A_144 = arith.constant 0 : i32
    %dma_start3A_145 = tpu.memref_slice %arg2[%dma_start3A_143, %dma_start3A_144] : memref<1000000x64xf32, #tpu.memory_space<hbm>> -> memref<1000000x64xf32, #tpu.memory_space<hbm>>
    tpu.enqueue_indirect_dma source(%dma_start3A_145 : memref<1000000x64xf32, #tpu.memory_space<hbm>>) target(%dma_start3A_139 : memref<40x64xf32, #tpu.memory_space<vmem>>) offsets(%dma_start3A_142 : memref<40xi32, #tpu.memory_space<vmem>>) semaphore(%arg11 : memref<!tpu.dma_semaphore, #tpu.memory_space<semaphore_mem>>)
    %dma_start3A_146 = arith.constant 2 : i32
    %dma_start3A_147 = arith.constant 2 : i32
    %dma_start3A_148 = arith.constant 80 : i32
    %dma_start3A_149 = arith.constant 0 : i32
    %dma_start3A_150 = tpu.memref_slice %arg8[%dma_start3A_147, %dma_start3A_148, %dma_start3A_149] : memref<4x200x64xf32, #tpu.memory_space<vmem>> -> memref<1x40x64xf32, #tpu.memory_space<vmem>>
    %dma_start3A_151 = tpu.memref_squeeze %dma_start3A_150 : memref<1x40x64xf32, #tpu.memory_space<vmem>> -> memref<40x64xf32, #tpu.memory_space<vmem>>
    %dma_start3A_152 = arith.constant 80 : i32
    %dma_start3A_153 = tpu.memref_slice %arg6[%dma_start3A_146, %dma_start3A_152] : memref<128x200xi32, #tpu.memory_space<vmem>> -> memref<1x40xi32, #tpu.memory_space<vmem>>
    %dma_start3A_154 = tpu.memref_squeeze %dma_start3A_153 : memref<1x40xi32, #tpu.memory_space<vmem>> -> memref<40xi32, #tpu.memory_space<vmem>>
    %dma_start3A_155 = arith.constant 0 : i32
    %dma_start3A_156 = arith.constant 0 : i32
    %dma_start3A_157 = tpu.memref_slice %arg2[%dma_start3A_155, %dma_start3A_156] : memref<1000000x64xf32, #tpu.memory_space<hbm>> -> memref<1000000x64xf32, #tpu.memory_space<hbm>>
    tpu.enqueue_indirect_dma source(%dma_start3A_157 : memref<1000000x64xf32, #tpu.memory_space<hbm>>) target(%dma_start3A_151 : memref<40x64xf32, #tpu.memory_space<vmem>>) offsets(%dma_start3A_154 : memref<40xi32, #tpu.memory_space<vmem>>) semaphore(%arg11 : memref<!tpu.dma_semaphore, #tpu.memory_space<semaphore_mem>>)
    %dma_start3A_158 = arith.constant 2 : i32
    %dma_start3A_159 = arith.constant 2 : i32
    %dma_start3A_160 = arith.constant 120 : i32
    %dma_start3A_161 = arith.constant 0 : i32
    %dma_start3A_162 = tpu.memref_slice %arg8[%dma_start3A_159, %dma_start3A_160, %dma_start3A_161] : memref<4x200x64xf32, #tpu.memory_space<vmem>> -> memref<1x40x64xf32, #tpu.memory_space<vmem>>
    %dma_start3A_163 = tpu.memref_squeeze %dma_start3A_162 : memref<1x40x64xf32, #tpu.memory_space<vmem>> -> memref<40x64xf32, #tpu.memory_space<vmem>>
    %dma_start3A_164 = arith.constant 120 : i32
    %dma_start3A_165 = tpu.memref_slice %arg6[%dma_start3A_158, %dma_start3A_164] : memref<128x200xi32, #tpu.memory_space<vmem>> -> memref<1x40xi32, #tpu.memory_space<vmem>>
    %dma_start3A_166 = tpu.memref_squeeze %dma_start3A_165 : memref<1x40xi32, #tpu.memory_space<vmem>> -> memref<40xi32, #tpu.memory_space<vmem>>
    %dma_start3A_167 = arith.constant 0 : i32
    %dma_start3A_168 = arith.constant 0 : i32
    %dma_start3A_169 = tpu.memref_slice %arg2[%dma_start3A_167, %dma_start3A_168] : memref<1000000x64xf32, #tpu.memory_space<hbm>> -> memref<1000000x64xf32, #tpu.memory_space<hbm>>
    tpu.enqueue_indirect_dma source(%dma_start3A_169 : memref<1000000x64xf32, #tpu.memory_space<hbm>>) target(%dma_start3A_163 : memref<40x64xf32, #tpu.memory_space<vmem>>) offsets(%dma_start3A_166 : memref<40xi32, #tpu.memory_space<vmem>>) semaphore(%arg11 : memref<!tpu.dma_semaphore, #tpu.memory_space<semaphore_mem>>)
    %dma_start3A_170 = arith.constant 2 : i32
    %dma_start3A_171 = arith.constant 2 : i32
    %dma_start3A_172 = arith.constant 160 : i32
    %dma_start3A_173 = arith.constant 0 : i32
    %dma_start3A_174 = tpu.memref_slice %arg8[%dma_start3A_171, %dma_start3A_172, %dma_start3A_173] : memref<4x200x64xf32, #tpu.memory_space<vmem>> -> memref<1x40x64xf32, #tpu.memory_space<vmem>>
    %dma_start3A_175 = tpu.memref_squeeze %dma_start3A_174 : memref<1x40x64xf32, #tpu.memory_space<vmem>> -> memref<40x64xf32, #tpu.memory_space<vmem>>
    %dma_start3A_176 = arith.constant 160 : i32
    %dma_start3A_177 = tpu.memref_slice %arg6[%dma_start3A_170, %dma_start3A_176] : memref<128x200xi32, #tpu.memory_space<vmem>> -> memref<1x40xi32, #tpu.memory_space<vmem>>
    %dma_start3A_178 = tpu.memref_squeeze %dma_start3A_177 : memref<1x40xi32, #tpu.memory_space<vmem>> -> memref<40xi32, #tpu.memory_space<vmem>>
    %dma_start3A_179 = arith.constant 0 : i32
    %dma_start3A_180 = arith.constant 0 : i32
    %dma_start3A_181 = tpu.memref_slice %arg2[%dma_start3A_179, %dma_start3A_180] : memref<1000000x64xf32, #tpu.memory_space<hbm>> -> memref<1000000x64xf32, #tpu.memory_space<hbm>>
    tpu.enqueue_indirect_dma source(%dma_start3A_181 : memref<1000000x64xf32, #tpu.memory_space<hbm>>) target(%dma_start3A_175 : memref<40x64xf32, #tpu.memory_space<vmem>>) offsets(%dma_start3A_178 : memref<40xi32, #tpu.memory_space<vmem>>) semaphore(%arg11 : memref<!tpu.dma_semaphore, #tpu.memory_space<semaphore_mem>>)
    %scan3A = arith.constant 0 : i32
    %scan3A_182 = arith.constant 0 : i32
    %scan3A_183 = arith.constant 32 : i32
    %scan3A_184 = arith.addi %scan3A_182, %scan3A_183 : i32
    %scan3A_185 = arith.constant 1 : i32
    scf.for %scan3A_204 = %scan3A_182 to %scan3A_184 step %scan3A_185  : i32 {
      %mul3A_205 = arith.constant 4 : i32
      %mul3A_206 = arith.muli %scan3A_204, %mul3A_205 : i32
      %add3A_207 = arith.constant 0 : i32
      %add3A_208 = arith.addi %mul3A_206, %add3A_207 : i32
      %ge3A = arith.constant 1 : i32
      %ge3A_209 = arith.cmpi sge, %add3A_208, %ge3A : i32
      %convert_element_type3A = arith.extui %ge3A_209 : i1 to i32
      %cond3A = arith.constant 0 : i32
      %cond3A_210 = arith.cmpi ne, %convert_element_type3A, %cond3A : i32
      scf.if %cond3A_210 {
        %dma_wait3A_595 = arith.constant 3 : i32
        %dma_wait3A_596 = arith.constant 0 : i32
        %dma_wait3A_597 = arith.constant 0 : i32
        %dma_wait3A_598 = arith.constant 0 : i32
        %dma_wait3A_599 = tpu.memref_slice %arg8[%dma_wait3A_595, %dma_wait3A_597, %dma_wait3A_598] : memref<4x200x64xf32, #tpu.memory_space<vmem>> -> memref<1x200x64xf32, #tpu.memory_space<vmem>>
        %dma_wait3A_600 = tpu.memref_squeeze %dma_wait3A_599 : memref<1x200x64xf32, #tpu.memory_space<vmem>> -> memref<200x64xf32, #tpu.memory_space<vmem>>
        %dma_wait3A_601 = arith.constant 0 : i32
        %dma_wait3A_602 = arith.constant 0 : i32
        %dma_wait3A_603 = tpu.memref_slice %arg5[%dma_wait3A_596, %dma_wait3A_601, %dma_wait3A_602] : memref<4096x200x64xf32, #tpu.memory_space<hbm>> -> memref<1x200x64xf32, #tpu.memory_space<hbm>>
        %dma_wait3A_604 = tpu.memref_squeeze %dma_wait3A_603 : memref<1x200x64xf32, #tpu.memory_space<hbm>> -> memref<200x64xf32, #tpu.memory_space<hbm>>
        %dma_wait3A_605 = arith.constant 0 : i32
        %dma_wait3A_606 = arith.constant 0 : i32
        %dma_wait3A_607 = tpu.memref_slice %arg5[%dma_wait3A_596, %dma_wait3A_605, %dma_wait3A_606] : memref<4096x200x64xf32, #tpu.memory_space<hbm>> -> memref<1x200x64xf32, #tpu.memory_space<hbm>>
        %dma_wait3A_608 = tpu.memref_squeeze %dma_wait3A_607 : memref<1x200x64xf32, #tpu.memory_space<hbm>> -> memref<200x64xf32, #tpu.memory_space<hbm>>
        %dma_wait3A_609 = arith.constant 0 : i32
        %dma_wait3A_610 = arith.constant 0 : i32
        %dma_wait3A_611 = tpu.memref_slice %arg8[%dma_wait3A_595, %dma_wait3A_609, %dma_wait3A_610] : memref<4x200x64xf32, #tpu.memory_space<vmem>> -> memref<1x200x64xf32, #tpu.memory_space<vmem>>
        %dma_wait3A_612 = tpu.memref_squeeze %dma_wait3A_611 : memref<1x200x64xf32, #tpu.memory_space<vmem>> -> memref<200x64xf32, #tpu.memory_space<vmem>>
        tpu.wait_dma2 semaphore(%arg16 : memref<!tpu.dma_semaphore, #tpu.memory_space<semaphore_mem>>) src(%dma_wait3A_612 : memref<200x64xf32, #tpu.memory_space<vmem>>) dst(%dma_wait3A_608 : memref<200x64xf32, #tpu.memory_space<hbm>>)
      } else {
      }
      %add3A_211 = arith.constant 4 : i32
      %add3A_212 = arith.addi %add3A_208, %add3A_211 : i32
      %sub3A = arith.constant 1 : i32
      %sub3A_213 = arith.subi %add3A_212, %sub3A : i32
      %lt3A = arith.constant 128 : i32
      %lt3A_214 = arith.cmpi slt, %sub3A_213, %lt3A : i32
      %convert_element_type3A_215 = arith.extui %lt3A_214 : i1 to i32
      %cond3A_216 = arith.constant 0 : i32
      %cond3A_217 = arith.cmpi ne, %convert_element_type3A_215, %cond3A_216 : i32
      scf.if %cond3A_217 {
        %add3A_595 = arith.constant 4 : i32
        %add3A_596 = arith.addi %add3A_208, %add3A_595 : i32
        %sub3A_597 = arith.constant 1 : i32
        %sub3A_598 = arith.subi %add3A_596, %sub3A_597 : i32
        %dma_start3A_599 = arith.constant 3 : i32
        %dma_start3A_600 = arith.constant 0 : i32
        %dma_start3A_601 = arith.constant 0 : i32
        %dma_start3A_602 = tpu.memref_slice %arg8[%dma_start3A_599, %dma_start3A_600, %dma_start3A_601] : memref<4x200x64xf32, #tpu.memory_space<vmem>> -> memref<1x40x64xf32, #tpu.memory_space<vmem>>
        %dma_start3A_603 = tpu.memref_squeeze %dma_start3A_602 : memref<1x40x64xf32, #tpu.memory_space<vmem>> -> memref<40x64xf32, #tpu.memory_space<vmem>>
        %dma_start3A_604 = arith.constant 0 : i32
        %dma_start3A_605 = tpu.memref_slice %arg6[%sub3A_598, %dma_start3A_604] : memref<128x200xi32, #tpu.memory_space<vmem>> -> memref<1x40xi32, #tpu.memory_space<vmem>>
        %dma_start3A_606 = tpu.memref_squeeze %dma_start3A_605 : memref<1x40xi32, #tpu.memory_space<vmem>> -> memref<40xi32, #tpu.memory_space<vmem>>
        %dma_start3A_607 = arith.constant 0 : i32
        %dma_start3A_608 = arith.constant 0 : i32
        %dma_start3A_609 = tpu.memref_slice %arg2[%dma_start3A_607, %dma_start3A_608] : memref<1000000x64xf32, #tpu.memory_space<hbm>> -> memref<1000000x64xf32, #tpu.memory_space<hbm>>
        tpu.enqueue_indirect_dma source(%dma_start3A_609 : memref<1000000x64xf32, #tpu.memory_space<hbm>>) target(%dma_start3A_603 : memref<40x64xf32, #tpu.memory_space<vmem>>) offsets(%dma_start3A_606 : memref<40xi32, #tpu.memory_space<vmem>>) semaphore(%arg12 : memref<!tpu.dma_semaphore, #tpu.memory_space<semaphore_mem>>)
        %dma_start3A_610 = arith.constant 3 : i32
        %dma_start3A_611 = arith.constant 40 : i32
        %dma_start3A_612 = arith.constant 0 : i32
        %dma_start3A_613 = tpu.memref_slice %arg8[%dma_start3A_610, %dma_start3A_611, %dma_start3A_612] : memref<4x200x64xf32, #tpu.memory_space<vmem>> -> memref<1x40x64xf32, #tpu.memory_space<vmem>>
        %dma_start3A_614 = tpu.memref_squeeze %dma_start3A_613 : memref<1x40x64xf32, #tpu.memory_space<vmem>> -> memref<40x64xf32, #tpu.memory_space<vmem>>
        %dma_start3A_615 = arith.constant 40 : i32
        %dma_start3A_616 = tpu.memref_slice %arg6[%sub3A_598, %dma_start3A_615] : memref<128x200xi32, #tpu.memory_space<vmem>> -> memref<1x40xi32, #tpu.memory_space<vmem>>
        %dma_start3A_617 = tpu.memref_squeeze %dma_start3A_616 : memref<1x40xi32, #tpu.memory_space<vmem>> -> memref<40xi32, #tpu.memory_space<vmem>>
        %dma_start3A_618 = arith.constant 0 : i32
        %dma_start3A_619 = arith.constant 0 : i32
        %dma_start3A_620 = tpu.memref_slice %arg2[%dma_start3A_618, %dma_start3A_619] : memref<1000000x64xf32, #tpu.memory_space<hbm>> -> memref<1000000x64xf32, #tpu.memory_space<hbm>>
        tpu.enqueue_indirect_dma source(%dma_start3A_620 : memref<1000000x64xf32, #tpu.memory_space<hbm>>) target(%dma_start3A_614 : memref<40x64xf32, #tpu.memory_space<vmem>>) offsets(%dma_start3A_617 : memref<40xi32, #tpu.memory_space<vmem>>) semaphore(%arg12 : memref<!tpu.dma_semaphore, #tpu.memory_space<semaphore_mem>>)
        %dma_start3A_621 = arith.constant 3 : i32
        %dma_start3A_622 = arith.constant 80 : i32
        %dma_start3A_623 = arith.constant 0 : i32
        %dma_start3A_624 = tpu.memref_slice %arg8[%dma_start3A_621, %dma_start3A_622, %dma_start3A_623] : memref<4x200x64xf32, #tpu.memory_space<vmem>> -> memref<1x40x64xf32, #tpu.memory_space<vmem>>
        %dma_start3A_625 = tpu.memref_squeeze %dma_start3A_624 : memref<1x40x64xf32, #tpu.memory_space<vmem>> -> memref<40x64xf32, #tpu.memory_space<vmem>>
        %dma_start3A_626 = arith.constant 80 : i32
        %dma_start3A_627 = tpu.memref_slice %arg6[%sub3A_598, %dma_start3A_626] : memref<128x200xi32, #tpu.memory_space<vmem>> -> memref<1x40xi32, #tpu.memory_space<vmem>>
        %dma_start3A_628 = tpu.memref_squeeze %dma_start3A_627 : memref<1x40xi32, #tpu.memory_space<vmem>> -> memref<40xi32, #tpu.memory_space<vmem>>
        %dma_start3A_629 = arith.constant 0 : i32
        %dma_start3A_630 = arith.constant 0 : i32
        %dma_start3A_631 = tpu.memref_slice %arg2[%dma_start3A_629, %dma_start3A_630] : memref<1000000x64xf32, #tpu.memory_space<hbm>> -> memref<1000000x64xf32, #tpu.memory_space<hbm>>
        tpu.enqueue_indirect_dma source(%dma_start3A_631 : memref<1000000x64xf32, #tpu.memory_space<hbm>>) target(%dma_start3A_625 : memref<40x64xf32, #tpu.memory_space<vmem>>) offsets(%dma_start3A_628 : memref<40xi32, #tpu.memory_space<vmem>>) semaphore(%arg12 : memref<!tpu.dma_semaphore, #tpu.memory_space<semaphore_mem>>)
        %dma_start3A_632 = arith.constant 3 : i32
        %dma_start3A_633 = arith.constant 120 : i32
        %dma_start3A_634 = arith.constant 0 : i32
        %dma_start3A_635 = tpu.memref_slice %arg8[%dma_start3A_632, %dma_start3A_633, %dma_start3A_634] : memref<4x200x64xf32, #tpu.memory_space<vmem>> -> memref<1x40x64xf32, #tpu.memory_space<vmem>>
        %dma_start3A_636 = tpu.memref_squeeze %dma_start3A_635 : memref<1x40x64xf32, #tpu.memory_space<vmem>> -> memref<40x64xf32, #tpu.memory_space<vmem>>
        %dma_start3A_637 = arith.constant 120 : i32
        %dma_start3A_638 = tpu.memref_slice %arg6[%sub3A_598, %dma_start3A_637] : memref<128x200xi32, #tpu.memory_space<vmem>> -> memref<1x40xi32, #tpu.memory_space<vmem>>
        %dma_start3A_639 = tpu.memref_squeeze %dma_start3A_638 : memref<1x40xi32, #tpu.memory_space<vmem>> -> memref<40xi32, #tpu.memory_space<vmem>>
        %dma_start3A_640 = arith.constant 0 : i32
        %dma_start3A_641 = arith.constant 0 : i32
        %dma_start3A_642 = tpu.memref_slice %arg2[%dma_start3A_640, %dma_start3A_641] : memref<1000000x64xf32, #tpu.memory_space<hbm>> -> memref<1000000x64xf32, #tpu.memory_space<hbm>>
        tpu.enqueue_indirect_dma source(%dma_start3A_642 : memref<1000000x64xf32, #tpu.memory_space<hbm>>) target(%dma_start3A_636 : memref<40x64xf32, #tpu.memory_space<vmem>>) offsets(%dma_start3A_639 : memref<40xi32, #tpu.memory_space<vmem>>) semaphore(%arg12 : memref<!tpu.dma_semaphore, #tpu.memory_space<semaphore_mem>>)
        %dma_start3A_643 = arith.constant 3 : i32
        %dma_start3A_644 = arith.constant 160 : i32
        %dma_start3A_645 = arith.constant 0 : i32
        %dma_start3A_646 = tpu.memref_slice %arg8[%dma_start3A_643, %dma_start3A_644, %dma_start3A_645] : memref<4x200x64xf32, #tpu.memory_space<vmem>> -> memref<1x40x64xf32, #tpu.memory_space<vmem>>
        %dma_start3A_647 = tpu.memref_squeeze %dma_start3A_646 : memref<1x40x64xf32, #tpu.memory_space<vmem>> -> memref<40x64xf32, #tpu.memory_space<vmem>>
        %dma_start3A_648 = arith.constant 160 : i32
        %dma_start3A_649 = tpu.memref_slice %arg6[%sub3A_598, %dma_start3A_648] : memref<128x200xi32, #tpu.memory_space<vmem>> -> memref<1x40xi32, #tpu.memory_space<vmem>>
        %dma_start3A_650 = tpu.memref_squeeze %dma_start3A_649 : memref<1x40xi32, #tpu.memory_space<vmem>> -> memref<40xi32, #tpu.memory_space<vmem>>
        %dma_start3A_651 = arith.constant 0 : i32
        %dma_start3A_652 = arith.constant 0 : i32
        %dma_start3A_653 = tpu.memref_slice %arg2[%dma_start3A_651, %dma_start3A_652] : memref<1000000x64xf32, #tpu.memory_space<hbm>> -> memref<1000000x64xf32, #tpu.memory_space<hbm>>
        tpu.enqueue_indirect_dma source(%dma_start3A_653 : memref<1000000x64xf32, #tpu.memory_space<hbm>>) target(%dma_start3A_647 : memref<40x64xf32, #tpu.memory_space<vmem>>) offsets(%dma_start3A_650 : memref<40xi32, #tpu.memory_space<vmem>>) semaphore(%arg12 : memref<!tpu.dma_semaphore, #tpu.memory_space<semaphore_mem>>)
      } else {
      }
      %dma_wait3A_218 = arith.constant 0 : i32
      %dma_wait3A_219 = arith.constant 0 : i32
      %dma_wait3A_220 = arith.constant 0 : i32
      %dma_wait3A_221 = arith.constant 0 : i32
      %dma_wait3A_222 = tpu.memref_slice %arg8[%dma_wait3A_219, %dma_wait3A_220, %dma_wait3A_221] : memref<4x200x64xf32, #tpu.memory_space<vmem>> -> memref<1x40x64xf32, #tpu.memory_space<vmem>>
      %dma_wait3A_223 = tpu.memref_squeeze %dma_wait3A_222 : memref<1x40x64xf32, #tpu.memory_space<vmem>> -> memref<40x64xf32, #tpu.memory_space<vmem>>
      %dma_wait3A_224 = arith.constant 0 : i32
      %dma_wait3A_225 = tpu.memref_slice %arg6[%dma_wait3A_218, %dma_wait3A_224] : memref<128x200xi32, #tpu.memory_space<vmem>> -> memref<1x40xi32, #tpu.memory_space<vmem>>
      %dma_wait3A_226 = tpu.memref_squeeze %dma_wait3A_225 : memref<1x40xi32, #tpu.memory_space<vmem>> -> memref<40xi32, #tpu.memory_space<vmem>>
      %dma_wait3A_227 = arith.constant 0 : i32
      %dma_wait3A_228 = arith.constant 0 : i32
      %dma_wait3A_229 = tpu.memref_slice %arg2[%dma_wait3A_227, %dma_wait3A_228] : memref<1000000x64xf32, #tpu.memory_space<hbm>> -> memref<1000000x64xf32, #tpu.memory_space<hbm>>
      tpu.wait_indirect_dma semaphore(%arg9 : memref<!tpu.dma_semaphore, #tpu.memory_space<semaphore_mem>>) src(%dma_wait3A_229 : memref<1000000x64xf32, #tpu.memory_space<hbm>>) dst(%dma_wait3A_223 : memref<40x64xf32, #tpu.memory_space<vmem>>)
      %dma_wait3A_230 = arith.constant 0 : i32
      %dma_wait3A_231 = arith.constant 0 : i32
      %dma_wait3A_232 = arith.constant 40 : i32
      %dma_wait3A_233 = arith.constant 0 : i32
      %dma_wait3A_234 = tpu.memref_slice %arg8[%dma_wait3A_231, %dma_wait3A_232, %dma_wait3A_233] : memref<4x200x64xf32, #tpu.memory_space<vmem>> -> memref<1x40x64xf32, #tpu.memory_space<vmem>>
      %dma_wait3A_235 = tpu.memref_squeeze %dma_wait3A_234 : memref<1x40x64xf32, #tpu.memory_space<vmem>> -> memref<40x64xf32, #tpu.memory_space<vmem>>
      %dma_wait3A_236 = arith.constant 0 : i32
      %dma_wait3A_237 = tpu.memref_slice %arg6[%dma_wait3A_230, %dma_wait3A_236] : memref<128x200xi32, #tpu.memory_space<vmem>> -> memref<1x40xi32, #tpu.memory_space<vmem>>
      %dma_wait3A_238 = tpu.memref_squeeze %dma_wait3A_237 : memref<1x40xi32, #tpu.memory_space<vmem>> -> memref<40xi32, #tpu.memory_space<vmem>>
      %dma_wait3A_239 = arith.constant 0 : i32
      %dma_wait3A_240 = arith.constant 0 : i32
      %dma_wait3A_241 = tpu.memref_slice %arg2[%dma_wait3A_239, %dma_wait3A_240] : memref<1000000x64xf32, #tpu.memory_space<hbm>> -> memref<1000000x64xf32, #tpu.memory_space<hbm>>
      tpu.wait_indirect_dma semaphore(%arg9 : memref<!tpu.dma_semaphore, #tpu.memory_space<semaphore_mem>>) src(%dma_wait3A_241 : memref<1000000x64xf32, #tpu.memory_space<hbm>>) dst(%dma_wait3A_235 : memref<40x64xf32, #tpu.memory_space<vmem>>)
      %dma_wait3A_242 = arith.constant 0 : i32
      %dma_wait3A_243 = arith.constant 0 : i32
      %dma_wait3A_244 = arith.constant 80 : i32
      %dma_wait3A_245 = arith.constant 0 : i32
      %dma_wait3A_246 = tpu.memref_slice %arg8[%dma_wait3A_243, %dma_wait3A_244, %dma_wait3A_245] : memref<4x200x64xf32, #tpu.memory_space<vmem>> -> memref<1x40x64xf32, #tpu.memory_space<vmem>>
      %dma_wait3A_247 = tpu.memref_squeeze %dma_wait3A_246 : memref<1x40x64xf32, #tpu.memory_space<vmem>> -> memref<40x64xf32, #tpu.memory_space<vmem>>
      %dma_wait3A_248 = arith.constant 0 : i32
      %dma_wait3A_249 = tpu.memref_slice %arg6[%dma_wait3A_242, %dma_wait3A_248] : memref<128x200xi32, #tpu.memory_space<vmem>> -> memref<1x40xi32, #tpu.memory_space<vmem>>
      %dma_wait3A_250 = tpu.memref_squeeze %dma_wait3A_249 : memref<1x40xi32, #tpu.memory_space<vmem>> -> memref<40xi32, #tpu.memory_space<vmem>>
      %dma_wait3A_251 = arith.constant 0 : i32
      %dma_wait3A_252 = arith.constant 0 : i32
      %dma_wait3A_253 = tpu.memref_slice %arg2[%dma_wait3A_251, %dma_wait3A_252] : memref<1000000x64xf32, #tpu.memory_space<hbm>> -> memref<1000000x64xf32, #tpu.memory_space<hbm>>
      tpu.wait_indirect_dma semaphore(%arg9 : memref<!tpu.dma_semaphore, #tpu.memory_space<semaphore_mem>>) src(%dma_wait3A_253 : memref<1000000x64xf32, #tpu.memory_space<hbm>>) dst(%dma_wait3A_247 : memref<40x64xf32, #tpu.memory_space<vmem>>)
      %dma_wait3A_254 = arith.constant 0 : i32
      %dma_wait3A_255 = arith.constant 0 : i32
      %dma_wait3A_256 = arith.constant 120 : i32
      %dma_wait3A_257 = arith.constant 0 : i32
      %dma_wait3A_258 = tpu.memref_slice %arg8[%dma_wait3A_255, %dma_wait3A_256, %dma_wait3A_257] : memref<4x200x64xf32, #tpu.memory_space<vmem>> -> memref<1x40x64xf32, #tpu.memory_space<vmem>>
      %dma_wait3A_259 = tpu.memref_squeeze %dma_wait3A_258 : memref<1x40x64xf32, #tpu.memory_space<vmem>> -> memref<40x64xf32, #tpu.memory_space<vmem>>
      %dma_wait3A_260 = arith.constant 0 : i32
      %dma_wait3A_261 = tpu.memref_slice %arg6[%dma_wait3A_254, %dma_wait3A_260] : memref<128x200xi32, #tpu.memory_space<vmem>> -> memref<1x40xi32, #tpu.memory_space<vmem>>
      %dma_wait3A_262 = tpu.memref_squeeze %dma_wait3A_261 : memref<1x40xi32, #tpu.memory_space<vmem>> -> memref<40xi32, #tpu.memory_space<vmem>>
      %dma_wait3A_263 = arith.constant 0 : i32
      %dma_wait3A_264 = arith.constant 0 : i32
      %dma_wait3A_265 = tpu.memref_slice %arg2[%dma_wait3A_263, %dma_wait3A_264] : memref<1000000x64xf32, #tpu.memory_space<hbm>> -> memref<1000000x64xf32, #tpu.memory_space<hbm>>
      tpu.wait_indirect_dma semaphore(%arg9 : memref<!tpu.dma_semaphore, #tpu.memory_space<semaphore_mem>>) src(%dma_wait3A_265 : memref<1000000x64xf32, #tpu.memory_space<hbm>>) dst(%dma_wait3A_259 : memref<40x64xf32, #tpu.memory_space<vmem>>)
      %dma_wait3A_266 = arith.constant 0 : i32
      %dma_wait3A_267 = arith.constant 0 : i32
      %dma_wait3A_268 = arith.constant 160 : i32
      %dma_wait3A_269 = arith.constant 0 : i32
      %dma_wait3A_270 = tpu.memref_slice %arg8[%dma_wait3A_267, %dma_wait3A_268, %dma_wait3A_269] : memref<4x200x64xf32, #tpu.memory_space<vmem>> -> memref<1x40x64xf32, #tpu.memory_space<vmem>>
      %dma_wait3A_271 = tpu.memref_squeeze %dma_wait3A_270 : memref<1x40x64xf32, #tpu.memory_space<vmem>> -> memref<40x64xf32, #tpu.memory_space<vmem>>
      %dma_wait3A_272 = arith.constant 0 : i32
      %dma_wait3A_273 = tpu.memref_slice %arg6[%dma_wait3A_266, %dma_wait3A_272] : memref<128x200xi32, #tpu.memory_space<vmem>> -> memref<1x40xi32, #tpu.memory_space<vmem>>
      %dma_wait3A_274 = tpu.memref_squeeze %dma_wait3A_273 : memref<1x40xi32, #tpu.memory_space<vmem>> -> memref<40xi32, #tpu.memory_space<vmem>>
      %dma_wait3A_275 = arith.constant 0 : i32
      %dma_wait3A_276 = arith.constant 0 : i32
      %dma_wait3A_277 = tpu.memref_slice %arg2[%dma_wait3A_275, %dma_wait3A_276] : memref<1000000x64xf32, #tpu.memory_space<hbm>> -> memref<1000000x64xf32, #tpu.memory_space<hbm>>
      tpu.wait_indirect_dma semaphore(%arg9 : memref<!tpu.dma_semaphore, #tpu.memory_space<semaphore_mem>>) src(%dma_wait3A_277 : memref<1000000x64xf32, #tpu.memory_space<hbm>>) dst(%dma_wait3A_271 : memref<40x64xf32, #tpu.memory_space<vmem>>)
      %parallel_loop3A = arith.constant 0 : i32
      %parallel_loop3A_278 = arith.constant 200 : i32
      %parallel_loop3A_279 = arith.constant 1 : i32
      scf.for %parallel_loop3A_595 = %parallel_loop3A to %parallel_loop3A_278 step %parallel_loop3A_279  : i32 {
        %parallel_loop3A_596 = arith.constant 0 : i32
        %parallel_loop3A_597 = arith.index_cast %parallel_loop3A_596 : i32 to index
        %parallel_loop3A_598 = arith.index_cast %parallel_loop3A_595 : i32 to index
        %parallel_loop3A_599 = arith.constant 0 : index
        %parallel_loop3A_600 = tpu.vector_load %arg8[%parallel_loop3A_597, %parallel_loop3A_598, %parallel_loop3A_599] {strides = array<i32>} : memref<4x200x64xf32, #tpu.memory_space<vmem>>, vector<1x1x16xf32>,
        %parallel_loop3A_601 = vector.shape_cast %parallel_loop3A_600 : vector<1x1x16xf32> to vector<16xf32>
        %parallel_loop3A_602 = arith.index_cast %parallel_loop3A_595 : i32 to index
        %parallel_loop3A_603 = arith.constant 0 : index
        %parallel_loop3A_604 = tpu.vector_load %arg7[%parallel_loop3A_602, %parallel_loop3A_603] {strides = array<i32>} : memref<200x64xf32, #tpu.memory_space<vmem>>, vector<1x16xf32>,
        %parallel_loop3A_605 = vector.shape_cast %parallel_loop3A_604 : vector<1x16xf32> to vector<16xf32>
        %parallel_loop3A_606 = arith.addf %parallel_loop3A_601, %parallel_loop3A_605 : vector<16xf32>
        %parallel_loop3A_607 = arith.constant 0 : i32
        %parallel_loop3A_608 = arith.index_cast %parallel_loop3A_607 : i32 to index
        %parallel_loop3A_609 = arith.index_cast %parallel_loop3A_595 : i32 to index
        %parallel_loop3A_610 = arith.constant 0 : index
        %parallel_loop3A_611 = tpu.vector_load %arg8[%parallel_loop3A_608, %parallel_loop3A_609, %parallel_loop3A_610] {strides = array<i32>} : memref<4x200x64xf32, #tpu.memory_space<vmem>>, vector<1x1x16xf32>,
        %parallel_loop3A_612 = vector.shape_cast %parallel_loop3A_611 : vector<1x1x16xf32> to vector<16xf32>
        %parallel_loop3A_613 = vector.shape_cast %parallel_loop3A_606 : vector<16xf32> to vector<1x1x16xf32>
        tpu.vector_store %arg8[%parallel_loop3A_608, %parallel_loop3A_609, %parallel_loop3A_610], %parallel_loop3A_613 {strides = array<i32>} : memref<4x200x64xf32, #tpu.memory_space<vmem>>, vector<1x1x16xf32>,
        %parallel_loop3A_614 = arith.constant 0 : i32
        %parallel_loop3A_615 = arith.index_cast %parallel_loop3A_614 : i32 to index
        %parallel_loop3A_616 = arith.index_cast %parallel_loop3A_595 : i32 to index
        %parallel_loop3A_617 = arith.constant 16 : index
        %parallel_loop3A_618 = tpu.vector_load %arg8[%parallel_loop3A_615, %parallel_loop3A_616, %parallel_loop3A_617] {strides = array<i32>} : memref<4x200x64xf32, #tpu.memory_space<vmem>>, vector<1x1x16xf32>,
        %parallel_loop3A_619 = vector.shape_cast %parallel_loop3A_618 : vector<1x1x16xf32> to vector<16xf32>
        %parallel_loop3A_620 = arith.index_cast %parallel_loop3A_595 : i32 to index
        %parallel_loop3A_621 = arith.constant 16 : index
        %parallel_loop3A_622 = tpu.vector_load %arg7[%parallel_loop3A_620, %parallel_loop3A_621] {strides = array<i32>} : memref<200x64xf32, #tpu.memory_space<vmem>>, vector<1x16xf32>,
        %parallel_loop3A_623 = vector.shape_cast %parallel_loop3A_622 : vector<1x16xf32> to vector<16xf32>
        %parallel_loop3A_624 = arith.addf %parallel_loop3A_619, %parallel_loop3A_623 : vector<16xf32>
        %parallel_loop3A_625 = arith.constant 0 : i32
        %parallel_loop3A_626 = arith.index_cast %parallel_loop3A_625 : i32 to index
        %parallel_loop3A_627 = arith.index_cast %parallel_loop3A_595 : i32 to index
        %parallel_loop3A_628 = arith.constant 16 : index
        %parallel_loop3A_629 = tpu.vector_load %arg8[%parallel_loop3A_626, %parallel_loop3A_627, %parallel_loop3A_628] {strides = array<i32>} : memref<4x200x64xf32, #tpu.memory_space<vmem>>, vector<1x1x16xf32>,
        %parallel_loop3A_630 = vector.shape_cast %parallel_loop3A_629 : vector<1x1x16xf32> to vector<16xf32>
        %parallel_loop3A_631 = vector.shape_cast %parallel_loop3A_624 : vector<16xf32> to vector<1x1x16xf32>
        tpu.vector_store %arg8[%parallel_loop3A_626, %parallel_loop3A_627, %parallel_loop3A_628], %parallel_loop3A_631 {strides = array<i32>} : memref<4x200x64xf32, #tpu.memory_space<vmem>>, vector<1x1x16xf32>,
        %parallel_loop3A_632 = arith.constant 0 : i32
        %parallel_loop3A_633 = arith.index_cast %parallel_loop3A_632 : i32 to index
        %parallel_loop3A_634 = arith.index_cast %parallel_loop3A_595 : i32 to index
        %parallel_loop3A_635 = arith.constant 32 : index
        %parallel_loop3A_636 = tpu.vector_load %arg8[%parallel_loop3A_633, %parallel_loop3A_634, %parallel_loop3A_635] {strides = array<i32>} : memref<4x200x64xf32, #tpu.memory_space<vmem>>, vector<1x1x16xf32>,
        %parallel_loop3A_637 = vector.shape_cast %parallel_loop3A_636 : vector<1x1x16xf32> to vector<16xf32>
        %parallel_loop3A_638 = arith.index_cast %parallel_loop3A_595 : i32 to index
        %parallel_loop3A_639 = arith.constant 32 : index
        %parallel_loop3A_640 = tpu.vector_load %arg7[%parallel_loop3A_638, %parallel_loop3A_639] {strides = array<i32>} : memref<200x64xf32, #tpu.memory_space<vmem>>, vector<1x16xf32>,
        %parallel_loop3A_641 = vector.shape_cast %parallel_loop3A_640 : vector<1x16xf32> to vector<16xf32>
        %parallel_loop3A_642 = arith.addf %parallel_loop3A_637, %parallel_loop3A_641 : vector<16xf32>
        %parallel_loop3A_643 = arith.constant 0 : i32
        %parallel_loop3A_644 = arith.index_cast %parallel_loop3A_643 : i32 to index
        %parallel_loop3A_645 = arith.index_cast %parallel_loop3A_595 : i32 to index
        %parallel_loop3A_646 = arith.constant 32 : index
        %parallel_loop3A_647 = tpu.vector_load %arg8[%parallel_loop3A_644, %parallel_loop3A_645, %parallel_loop3A_646] {strides = array<i32>} : memref<4x200x64xf32, #tpu.memory_space<vmem>>, vector<1x1x16xf32>,
        %parallel_loop3A_648 = vector.shape_cast %parallel_loop3A_647 : vector<1x1x16xf32> to vector<16xf32>
        %parallel_loop3A_649 = vector.shape_cast %parallel_loop3A_642 : vector<16xf32> to vector<1x1x16xf32>
        tpu.vector_store %arg8[%parallel_loop3A_644, %parallel_loop3A_645, %parallel_loop3A_646], %parallel_loop3A_649 {strides = array<i32>} : memref<4x200x64xf32, #tpu.memory_space<vmem>>, vector<1x1x16xf32>,
        %parallel_loop3A_650 = arith.constant 0 : i32
        %parallel_loop3A_651 = arith.index_cast %parallel_loop3A_650 : i32 to index
        %parallel_loop3A_652 = arith.index_cast %parallel_loop3A_595 : i32 to index
        %parallel_loop3A_653 = arith.constant 48 : index
        %parallel_loop3A_654 = tpu.vector_load %arg8[%parallel_loop3A_651, %parallel_loop3A_652, %parallel_loop3A_653] {strides = array<i32>} : memref<4x200x64xf32, #tpu.memory_space<vmem>>, vector<1x1x16xf32>,
        %parallel_loop3A_655 = vector.shape_cast %parallel_loop3A_654 : vector<1x1x16xf32> to vector<16xf32>
        %parallel_loop3A_656 = arith.index_cast %parallel_loop3A_595 : i32 to index
        %parallel_loop3A_657 = arith.constant 48 : index
        %parallel_loop3A_658 = tpu.vector_load %arg7[%parallel_loop3A_656, %parallel_loop3A_657] {strides = array<i32>} : memref<200x64xf32, #tpu.memory_space<vmem>>, vector<1x16xf32>,
        %parallel_loop3A_659 = vector.shape_cast %parallel_loop3A_658 : vector<1x16xf32> to vector<16xf32>
        %parallel_loop3A_660 = arith.addf %parallel_loop3A_655, %parallel_loop3A_659 : vector<16xf32>
        %parallel_loop3A_661 = arith.constant 0 : i32
        %parallel_loop3A_662 = arith.index_cast %parallel_loop3A_661 : i32 to index
        %parallel_loop3A_663 = arith.index_cast %parallel_loop3A_595 : i32 to index
        %parallel_loop3A_664 = arith.constant 48 : index
        %parallel_loop3A_665 = tpu.vector_load %arg8[%parallel_loop3A_662, %parallel_loop3A_663, %parallel_loop3A_664] {strides = array<i32>} : memref<4x200x64xf32, #tpu.memory_space<vmem>>, vector<1x1x16xf32>,
        %parallel_loop3A_666 = vector.shape_cast %parallel_loop3A_665 : vector<1x1x16xf32> to vector<16xf32>
        %parallel_loop3A_667 = vector.shape_cast %parallel_loop3A_660 : vector<16xf32> to vector<1x1x16xf32>
        tpu.vector_store %arg8[%parallel_loop3A_662, %parallel_loop3A_663, %parallel_loop3A_664], %parallel_loop3A_667 {strides = array<i32>} : memref<4x200x64xf32, #tpu.memory_space<vmem>>, vector<1x1x16xf32>,
      } {sc.loop_unroll_factor = 4 : i64, sc.parallel_access}
      %add3A_280 = arith.addi %mul3A_2, %add3A_208 : i32
      %dma_start3A_281 = arith.constant 0 : i32
      %dma_start3A_282 = arith.constant 0 : i32
      %dma_start3A_283 = arith.constant 0 : i32
      %dma_start3A_284 = tpu.memref_slice %arg8[%dma_start3A_281, %dma_start3A_282, %dma_start3A_283] : memref<4x200x64xf32, #tpu.memory_space<vmem>> -> memref<1x200x64xf32, #tpu.memory_space<vmem>>
      %dma_start3A_285 = tpu.memref_squeeze %dma_start3A_284 : memref<1x200x64xf32, #tpu.memory_space<vmem>> -> memref<200x64xf32, #tpu.memory_space<vmem>>
      %dma_start3A_286 = arith.constant 0 : i32
      %dma_start3A_287 = arith.constant 0 : i32
      %dma_start3A_288 = tpu.memref_slice %arg5[%add3A_280, %dma_start3A_286, %dma_start3A_287] : memref<4096x200x64xf32, #tpu.memory_space<hbm>> -> memref<1x200x64xf32, #tpu.memory_space<hbm>>
      %dma_start3A_289 = tpu.memref_squeeze %dma_start3A_288 : memref<1x200x64xf32, #tpu.memory_space<hbm>> -> memref<200x64xf32, #tpu.memory_space<hbm>>
      %dma_start3A_290 = arith.constant 0 : i32
      %dma_start3A_291 = arith.constant 0 : i32
      %dma_start3A_292 = tpu.memref_slice %arg5[%add3A_280, %dma_start3A_290, %dma_start3A_291] : memref<4096x200x64xf32, #tpu.memory_space<hbm>> -> memref<1x200x64xf32, #tpu.memory_space<hbm>>
      %dma_start3A_293 = tpu.memref_squeeze %dma_start3A_292 : memref<1x200x64xf32, #tpu.memory_space<hbm>> -> memref<200x64xf32, #tpu.memory_space<hbm>>
      %dma_start3A_294 = arith.constant 0 : i32
      %dma_start3A_295 = arith.constant 0 : i32
      %dma_start3A_296 = tpu.memref_slice %arg8[%dma_start3A_281, %dma_start3A_294, %dma_start3A_295] : memref<4x200x64xf32, #tpu.memory_space<vmem>> -> memref<1x200x64xf32, #tpu.memory_space<vmem>>
      %dma_start3A_297 = tpu.memref_squeeze %dma_start3A_296 : memref<1x200x64xf32, #tpu.memory_space<vmem>> -> memref<200x64xf32, #tpu.memory_space<vmem>>
      tpu.enqueue_dma source(%dma_start3A_297 : memref<200x64xf32, #tpu.memory_space<vmem>>) target(%dma_start3A_293 : memref<200x64xf32, #tpu.memory_space<hbm>>) target_semaphore(%arg13 : memref<!tpu.dma_semaphore, #tpu.memory_space<semaphore_mem>>)
      %mul3A_298 = arith.constant 4 : i32
      %mul3A_299 = arith.muli %scan3A_204, %mul3A_298 : i32
      %add3A_300 = arith.constant 1 : i32
      %add3A_301 = arith.addi %mul3A_299, %add3A_300 : i32
      %ge3A_302 = arith.constant 1 : i32
      %ge3A_303 = arith.cmpi sge, %add3A_301, %ge3A_302 : i32
      %convert_element_type3A_304 = arith.extui %ge3A_303 : i1 to i32
      %cond3A_305 = arith.constant 0 : i32
      %cond3A_306 = arith.cmpi ne, %convert_element_type3A_304, %cond3A_305 : i32
      scf.if %cond3A_306 {
        %dma_wait3A_595 = arith.constant 0 : i32
        %dma_wait3A_596 = arith.constant 0 : i32
        %dma_wait3A_597 = arith.constant 0 : i32
        %dma_wait3A_598 = arith.constant 0 : i32
        %dma_wait3A_599 = tpu.memref_slice %arg8[%dma_wait3A_595, %dma_wait3A_597, %dma_wait3A_598] : memref<4x200x64xf32, #tpu.memory_space<vmem>> -> memref<1x200x64xf32, #tpu.memory_space<vmem>>
        %dma_wait3A_600 = tpu.memref_squeeze %dma_wait3A_599 : memref<1x200x64xf32, #tpu.memory_space<vmem>> -> memref<200x64xf32, #tpu.memory_space<vmem>>
        %dma_wait3A_601 = arith.constant 0 : i32
        %dma_wait3A_602 = arith.constant 0 : i32
        %dma_wait3A_603 = tpu.memref_slice %arg5[%dma_wait3A_596, %dma_wait3A_601, %dma_wait3A_602] : memref<4096x200x64xf32, #tpu.memory_space<hbm>> -> memref<1x200x64xf32, #tpu.memory_space<hbm>>
        %dma_wait3A_604 = tpu.memref_squeeze %dma_wait3A_603 : memref<1x200x64xf32, #tpu.memory_space<hbm>> -> memref<200x64xf32, #tpu.memory_space<hbm>>
        %dma_wait3A_605 = arith.constant 0 : i32
        %dma_wait3A_606 = arith.constant 0 : i32
        %dma_wait3A_607 = tpu.memref_slice %arg5[%dma_wait3A_596, %dma_wait3A_605, %dma_wait3A_606] : memref<4096x200x64xf32, #tpu.memory_space<hbm>> -> memref<1x200x64xf32, #tpu.memory_space<hbm>>
        %dma_wait3A_608 = tpu.memref_squeeze %dma_wait3A_607 : memref<1x200x64xf32, #tpu.memory_space<hbm>> -> memref<200x64xf32, #tpu.memory_space<hbm>>
        %dma_wait3A_609 = arith.constant 0 : i32
        %dma_wait3A_610 = arith.constant 0 : i32
        %dma_wait3A_611 = tpu.memref_slice %arg8[%dma_wait3A_595, %dma_wait3A_609, %dma_wait3A_610] : memref<4x200x64xf32, #tpu.memory_space<vmem>> -> memref<1x200x64xf32, #tpu.memory_space<vmem>>
        %dma_wait3A_612 = tpu.memref_squeeze %dma_wait3A_611 : memref<1x200x64xf32, #tpu.memory_space<vmem>> -> memref<200x64xf32, #tpu.memory_space<vmem>>
        tpu.wait_dma2 semaphore(%arg13 : memref<!tpu.dma_semaphore, #tpu.memory_space<semaphore_mem>>) src(%dma_wait3A_612 : memref<200x64xf32, #tpu.memory_space<vmem>>) dst(%dma_wait3A_608 : memref<200x64xf32, #tpu.memory_space<hbm>>)
      } else {
      }
      %add3A_307 = arith.constant 4 : i32
      %add3A_308 = arith.addi %add3A_301, %add3A_307 : i32
      %sub3A_309 = arith.constant 1 : i32
      %sub3A_310 = arith.subi %add3A_308, %sub3A_309 : i32
      %lt3A_311 = arith.constant 128 : i32
      %lt3A_312 = arith.cmpi slt, %sub3A_310, %lt3A_311 : i32
      %convert_element_type3A_313 = arith.extui %lt3A_312 : i1 to i32
      %cond3A_314 = arith.constant 0 : i32
      %cond3A_315 = arith.cmpi ne, %convert_element_type3A_313, %cond3A_314 : i32
      scf.if %cond3A_315 {
        %add3A_595 = arith.constant 4 : i32
        %add3A_596 = arith.addi %add3A_301, %add3A_595 : i32
        %sub3A_597 = arith.constant 1 : i32
        %sub3A_598 = arith.subi %add3A_596, %sub3A_597 : i32
        %dma_start3A_599 = arith.constant 0 : i32
        %dma_start3A_600 = arith.constant 0 : i32
        %dma_start3A_601 = arith.constant 0 : i32
        %dma_start3A_602 = tpu.memref_slice %arg8[%dma_start3A_599, %dma_start3A_600, %dma_start3A_601] : memref<4x200x64xf32, #tpu.memory_space<vmem>> -> memref<1x40x64xf32, #tpu.memory_space<vmem>>
        %dma_start3A_603 = tpu.memref_squeeze %dma_start3A_602 : memref<1x40x64xf32, #tpu.memory_space<vmem>> -> memref<40x64xf32, #tpu.memory_space<vmem>>
        %dma_start3A_604 = arith.constant 0 : i32
        %dma_start3A_605 = tpu.memref_slice %arg6[%sub3A_598, %dma_start3A_604] : memref<128x200xi32, #tpu.memory_space<vmem>> -> memref<1x40xi32, #tpu.memory_space<vmem>>
        %dma_start3A_606 = tpu.memref_squeeze %dma_start3A_605 : memref<1x40xi32, #tpu.memory_space<vmem>> -> memref<40xi32, #tpu.memory_space<vmem>>
        %dma_start3A_607 = arith.constant 0 : i32
        %dma_start3A_608 = arith.constant 0 : i32
        %dma_start3A_609 = tpu.memref_slice %arg2[%dma_start3A_607, %dma_start3A_608] : memref<1000000x64xf32, #tpu.memory_space<hbm>> -> memref<1000000x64xf32, #tpu.memory_space<hbm>>
        tpu.enqueue_indirect_dma source(%dma_start3A_609 : memref<1000000x64xf32, #tpu.memory_space<hbm>>) target(%dma_start3A_603 : memref<40x64xf32, #tpu.memory_space<vmem>>) offsets(%dma_start3A_606 : memref<40xi32, #tpu.memory_space<vmem>>) semaphore(%arg9 : memref<!tpu.dma_semaphore, #tpu.memory_space<semaphore_mem>>)
        %dma_start3A_610 = arith.constant 0 : i32
        %dma_start3A_611 = arith.constant 40 : i32
        %dma_start3A_612 = arith.constant 0 : i32
        %dma_start3A_613 = tpu.memref_slice %arg8[%dma_start3A_610, %dma_start3A_611, %dma_start3A_612] : memref<4x200x64xf32, #tpu.memory_space<vmem>> -> memref<1x40x64xf32, #tpu.memory_space<vmem>>
        %dma_start3A_614 = tpu.memref_squeeze %dma_start3A_613 : memref<1x40x64xf32, #tpu.memory_space<vmem>> -> memref<40x64xf32, #tpu.memory_space<vmem>>
        %dma_start3A_615 = arith.constant 40 : i32
        %dma_start3A_616 = tpu.memref_slice %arg6[%sub3A_598, %dma_start3A_615] : memref<128x200xi32, #tpu.memory_space<vmem>> -> memref<1x40xi32, #tpu.memory_space<vmem>>
        %dma_start3A_617 = tpu.memref_squeeze %dma_start3A_616 : memref<1x40xi32, #tpu.memory_space<vmem>> -> memref<40xi32, #tpu.memory_space<vmem>>
        %dma_start3A_618 = arith.constant 0 : i32
        %dma_start3A_619 = arith.constant 0 : i32
        %dma_start3A_620 = tpu.memref_slice %arg2[%dma_start3A_618, %dma_start3A_619] : memref<1000000x64xf32, #tpu.memory_space<hbm>> -> memref<1000000x64xf32, #tpu.memory_space<hbm>>
        tpu.enqueue_indirect_dma source(%dma_start3A_620 : memref<1000000x64xf32, #tpu.memory_space<hbm>>) target(%dma_start3A_614 : memref<40x64xf32, #tpu.memory_space<vmem>>) offsets(%dma_start3A_617 : memref<40xi32, #tpu.memory_space<vmem>>) semaphore(%arg9 : memref<!tpu.dma_semaphore, #tpu.memory_space<semaphore_mem>>)
        %dma_start3A_621 = arith.constant 0 : i32
        %dma_start3A_622 = arith.constant 80 : i32
        %dma_start3A_623 = arith.constant 0 : i32
        %dma_start3A_624 = tpu.memref_slice %arg8[%dma_start3A_621, %dma_start3A_622, %dma_start3A_623] : memref<4x200x64xf32, #tpu.memory_space<vmem>> -> memref<1x40x64xf32, #tpu.memory_space<vmem>>
        %dma_start3A_625 = tpu.memref_squeeze %dma_start3A_624 : memref<1x40x64xf32, #tpu.memory_space<vmem>> -> memref<40x64xf32, #tpu.memory_space<vmem>>
        %dma_start3A_626 = arith.constant 80 : i32
        %dma_start3A_627 = tpu.memref_slice %arg6[%sub3A_598, %dma_start3A_626] : memref<128x200xi32, #tpu.memory_space<vmem>> -> memref<1x40xi32, #tpu.memory_space<vmem>>
        %dma_start3A_628 = tpu.memref_squeeze %dma_start3A_627 : memref<1x40xi32, #tpu.memory_space<vmem>> -> memref<40xi32, #tpu.memory_space<vmem>>
        %dma_start3A_629 = arith.constant 0 : i32
        %dma_start3A_630 = arith.constant 0 : i32
        %dma_start3A_631 = tpu.memref_slice %arg2[%dma_start3A_629, %dma_start3A_630] : memref<1000000x64xf32, #tpu.memory_space<hbm>> -> memref<1000000x64xf32, #tpu.memory_space<hbm>>
        tpu.enqueue_indirect_dma source(%dma_start3A_631 : memref<1000000x64xf32, #tpu.memory_space<hbm>>) target(%dma_start3A_625 : memref<40x64xf32, #tpu.memory_space<vmem>>) offsets(%dma_start3A_628 : memref<40xi32, #tpu.memory_space<vmem>>) semaphore(%arg9 : memref<!tpu.dma_semaphore, #tpu.memory_space<semaphore_mem>>)
        %dma_start3A_632 = arith.constant 0 : i32
        %dma_start3A_633 = arith.constant 120 : i32
        %dma_start3A_634 = arith.constant 0 : i32
        %dma_start3A_635 = tpu.memref_slice %arg8[%dma_start3A_632, %dma_start3A_633, %dma_start3A_634] : memref<4x200x64xf32, #tpu.memory_space<vmem>> -> memref<1x40x64xf32, #tpu.memory_space<vmem>>
        %dma_start3A_636 = tpu.memref_squeeze %dma_start3A_635 : memref<1x40x64xf32, #tpu.memory_space<vmem>> -> memref<40x64xf32, #tpu.memory_space<vmem>>
        %dma_start3A_637 = arith.constant 120 : i32
        %dma_start3A_638 = tpu.memref_slice %arg6[%sub3A_598, %dma_start3A_637] : memref<128x200xi32, #tpu.memory_space<vmem>> -> memref<1x40xi32, #tpu.memory_space<vmem>>
        %dma_start3A_639 = tpu.memref_squeeze %dma_start3A_638 : memref<1x40xi32, #tpu.memory_space<vmem>> -> memref<40xi32, #tpu.memory_space<vmem>>
        %dma_start3A_640 = arith.constant 0 : i32
        %dma_start3A_641 = arith.constant 0 : i32
        %dma_start3A_642 = tpu.memref_slice %arg2[%dma_start3A_640, %dma_start3A_641] : memref<1000000x64xf32, #tpu.memory_space<hbm>> -> memref<1000000x64xf32, #tpu.memory_space<hbm>>
        tpu.enqueue_indirect_dma source(%dma_start3A_642 : memref<1000000x64xf32, #tpu.memory_space<hbm>>) target(%dma_start3A_636 : memref<40x64xf32, #tpu.memory_space<vmem>>) offsets(%dma_start3A_639 : memref<40xi32, #tpu.memory_space<vmem>>) semaphore(%arg9 : memref<!tpu.dma_semaphore, #tpu.memory_space<semaphore_mem>>)
        %dma_start3A_643 = arith.constant 0 : i32
        %dma_start3A_644 = arith.constant 160 : i32
        %dma_start3A_645 = arith.constant 0 : i32
        %dma_start3A_646 = tpu.memref_slice %arg8[%dma_start3A_643, %dma_start3A_644, %dma_start3A_645] : memref<4x200x64xf32, #tpu.memory_space<vmem>> -> memref<1x40x64xf32, #tpu.memory_space<vmem>>
        %dma_start3A_647 = tpu.memref_squeeze %dma_start3A_646 : memref<1x40x64xf32, #tpu.memory_space<vmem>> -> memref<40x64xf32, #tpu.memory_space<vmem>>
        %dma_start3A_648 = arith.constant 160 : i32
        %dma_start3A_649 = tpu.memref_slice %arg6[%sub3A_598, %dma_start3A_648] : memref<128x200xi32, #tpu.memory_space<vmem>> -> memref<1x40xi32, #tpu.memory_space<vmem>>
        %dma_start3A_650 = tpu.memref_squeeze %dma_start3A_649 : memref<1x40xi32, #tpu.memory_space<vmem>> -> memref<40xi32, #tpu.memory_space<vmem>>
        %dma_start3A_651 = arith.constant 0 : i32
        %dma_start3A_652 = arith.constant 0 : i32
        %dma_start3A_653 = tpu.memref_slice %arg2[%dma_start3A_651, %dma_start3A_652] : memref<1000000x64xf32, #tpu.memory_space<hbm>> -> memref<1000000x64xf32, #tpu.memory_space<hbm>>
        tpu.enqueue_indirect_dma source(%dma_start3A_653 : memref<1000000x64xf32, #tpu.memory_space<hbm>>) target(%dma_start3A_647 : memref<40x64xf32, #tpu.memory_space<vmem>>) offsets(%dma_start3A_650 : memref<40xi32, #tpu.memory_space<vmem>>) semaphore(%arg9 : memref<!tpu.dma_semaphore, #tpu.memory_space<semaphore_mem>>)
      } else {
      }
      %dma_wait3A_316 = arith.constant 0 : i32
      %dma_wait3A_317 = arith.constant 1 : i32
      %dma_wait3A_318 = arith.constant 0 : i32
      %dma_wait3A_319 = arith.constant 0 : i32
      %dma_wait3A_320 = tpu.memref_slice %arg8[%dma_wait3A_317, %dma_wait3A_318, %dma_wait3A_319] : memref<4x200x64xf32, #tpu.memory_space<vmem>> -> memref<1x40x64xf32, #tpu.memory_space<vmem>>
      %dma_wait3A_321 = tpu.memref_squeeze %dma_wait3A_320 : memref<1x40x64xf32, #tpu.memory_space<vmem>> -> memref<40x64xf32, #tpu.memory_space<vmem>>
      %dma_wait3A_322 = arith.constant 0 : i32
      %dma_wait3A_323 = tpu.memref_slice %arg6[%dma_wait3A_316, %dma_wait3A_322] : memref<128x200xi32, #tpu.memory_space<vmem>> -> memref<1x40xi32, #tpu.memory_space<vmem>>
      %dma_wait3A_324 = tpu.memref_squeeze %dma_wait3A_323 : memref<1x40xi32, #tpu.memory_space<vmem>> -> memref<40xi32, #tpu.memory_space<vmem>>
      %dma_wait3A_325 = arith.constant 0 : i32
      %dma_wait3A_326 = arith.constant 0 : i32
      %dma_wait3A_327 = tpu.memref_slice %arg2[%dma_wait3A_325, %dma_wait3A_326] : memref<1000000x64xf32, #tpu.memory_space<hbm>> -> memref<1000000x64xf32, #tpu.memory_space<hbm>>
      tpu.wait_indirect_dma semaphore(%arg10 : memref<!tpu.dma_semaphore, #tpu.memory_space<semaphore_mem>>) src(%dma_wait3A_327 : memref<1000000x64xf32, #tpu.memory_space<hbm>>) dst(%dma_wait3A_321 : memref<40x64xf32, #tpu.memory_space<vmem>>)
      %dma_wait3A_328 = arith.constant 0 : i32
      %dma_wait3A_329 = arith.constant 1 : i32
      %dma_wait3A_330 = arith.constant 40 : i32
      %dma_wait3A_331 = arith.constant 0 : i32
      %dma_wait3A_332 = tpu.memref_slice %arg8[%dma_wait3A_329, %dma_wait3A_330, %dma_wait3A_331] : memref<4x200x64xf32, #tpu.memory_space<vmem>> -> memref<1x40x64xf32, #tpu.memory_space<vmem>>
      %dma_wait3A_333 = tpu.memref_squeeze %dma_wait3A_332 : memref<1x40x64xf32, #tpu.memory_space<vmem>> -> memref<40x64xf32, #tpu.memory_space<vmem>>
      %dma_wait3A_334 = arith.constant 0 : i32
      %dma_wait3A_335 = tpu.memref_slice %arg6[%dma_wait3A_328, %dma_wait3A_334] : memref<128x200xi32, #tpu.memory_space<vmem>> -> memref<1x40xi32, #tpu.memory_space<vmem>>
      %dma_wait3A_336 = tpu.memref_squeeze %dma_wait3A_335 : memref<1x40xi32, #tpu.memory_space<vmem>> -> memref<40xi32, #tpu.memory_space<vmem>>
      %dma_wait3A_337 = arith.constant 0 : i32
      %dma_wait3A_338 = arith.constant 0 : i32
      %dma_wait3A_339 = tpu.memref_slice %arg2[%dma_wait3A_337, %dma_wait3A_338] : memref<1000000x64xf32, #tpu.memory_space<hbm>> -> memref<1000000x64xf32, #tpu.memory_space<hbm>>
      tpu.wait_indirect_dma semaphore(%arg10 : memref<!tpu.dma_semaphore, #tpu.memory_space<semaphore_mem>>) src(%dma_wait3A_339 : memref<1000000x64xf32, #tpu.memory_space<hbm>>) dst(%dma_wait3A_333 : memref<40x64xf32, #tpu.memory_space<vmem>>)
      %dma_wait3A_340 = arith.constant 0 : i32
      %dma_wait3A_341 = arith.constant 1 : i32
      %dma_wait3A_342 = arith.constant 80 : i32
      %dma_wait3A_343 = arith.constant 0 : i32
      %dma_wait3A_344 = tpu.memref_slice %arg8[%dma_wait3A_341, %dma_wait3A_342, %dma_wait3A_343] : memref<4x200x64xf32, #tpu.memory_space<vmem>> -> memref<1x40x64xf32, #tpu.memory_space<vmem>>
      %dma_wait3A_345 = tpu.memref_squeeze %dma_wait3A_344 : memref<1x40x64xf32, #tpu.memory_space<vmem>> -> memref<40x64xf32, #tpu.memory_space<vmem>>
      %dma_wait3A_346 = arith.constant 0 : i32
      %dma_wait3A_347 = tpu.memref_slice %arg6[%dma_wait3A_340, %dma_wait3A_346] : memref<128x200xi32, #tpu.memory_space<vmem>> -> memref<1x40xi32, #tpu.memory_space<vmem>>
      %dma_wait3A_348 = tpu.memref_squeeze %dma_wait3A_347 : memref<1x40xi32, #tpu.memory_space<vmem>> -> memref<40xi32, #tpu.memory_space<vmem>>
      %dma_wait3A_349 = arith.constant 0 : i32
      %dma_wait3A_350 = arith.constant 0 : i32
      %dma_wait3A_351 = tpu.memref_slice %arg2[%dma_wait3A_349, %dma_wait3A_350] : memref<1000000x64xf32, #tpu.memory_space<hbm>> -> memref<1000000x64xf32, #tpu.memory_space<hbm>>
      tpu.wait_indirect_dma semaphore(%arg10 : memref<!tpu.dma_semaphore, #tpu.memory_space<semaphore_mem>>) src(%dma_wait3A_351 : memref<1000000x64xf32, #tpu.memory_space<hbm>>) dst(%dma_wait3A_345 : memref<40x64xf32, #tpu.memory_space<vmem>>)
      %dma_wait3A_352 = arith.constant 0 : i32
      %dma_wait3A_353 = arith.constant 1 : i32
      %dma_wait3A_354 = arith.constant 120 : i32
      %dma_wait3A_355 = arith.constant 0 : i32
      %dma_wait3A_356 = tpu.memref_slice %arg8[%dma_wait3A_353, %dma_wait3A_354, %dma_wait3A_355] : memref<4x200x64xf32, #tpu.memory_space<vmem>> -> memref<1x40x64xf32, #tpu.memory_space<vmem>>
      %dma_wait3A_357 = tpu.memref_squeeze %dma_wait3A_356 : memref<1x40x64xf32, #tpu.memory_space<vmem>> -> memref<40x64xf32, #tpu.memory_space<vmem>>
      %dma_wait3A_358 = arith.constant 0 : i32
      %dma_wait3A_359 = tpu.memref_slice %arg6[%dma_wait3A_352, %dma_wait3A_358] : memref<128x200xi32, #tpu.memory_space<vmem>> -> memref<1x40xi32, #tpu.memory_space<vmem>>
      %dma_wait3A_360 = tpu.memref_squeeze %dma_wait3A_359 : memref<1x40xi32, #tpu.memory_space<vmem>> -> memref<40xi32, #tpu.memory_space<vmem>>
      %dma_wait3A_361 = arith.constant 0 : i32
      %dma_wait3A_362 = arith.constant 0 : i32
      %dma_wait3A_363 = tpu.memref_slice %arg2[%dma_wait3A_361, %dma_wait3A_362] : memref<1000000x64xf32, #tpu.memory_space<hbm>> -> memref<1000000x64xf32, #tpu.memory_space<hbm>>
      tpu.wait_indirect_dma semaphore(%arg10 : memref<!tpu.dma_semaphore, #tpu.memory_space<semaphore_mem>>) src(%dma_wait3A_363 : memref<1000000x64xf32, #tpu.memory_space<hbm>>) dst(%dma_wait3A_357 : memref<40x64xf32, #tpu.memory_space<vmem>>)
      %dma_wait3A_364 = arith.constant 0 : i32
      %dma_wait3A_365 = arith.constant 1 : i32
      %dma_wait3A_366 = arith.constant 160 : i32
      %dma_wait3A_367 = arith.constant 0 : i32
      %dma_wait3A_368 = tpu.memref_slice %arg8[%dma_wait3A_365, %dma_wait3A_366, %dma_wait3A_367] : memref<4x200x64xf32, #tpu.memory_space<vmem>> -> memref<1x40x64xf32, #tpu.memory_space<vmem>>
      %dma_wait3A_369 = tpu.memref_squeeze %dma_wait3A_368 : memref<1x40x64xf32, #tpu.memory_space<vmem>> -> memref<40x64xf32, #tpu.memory_space<vmem>>
      %dma_wait3A_370 = arith.constant 0 : i32
      %dma_wait3A_371 = tpu.memref_slice %arg6[%dma_wait3A_364, %dma_wait3A_370] : memref<128x200xi32, #tpu.memory_space<vmem>> -> memref<1x40xi32, #tpu.memory_space<vmem>>
      %dma_wait3A_372 = tpu.memref_squeeze %dma_wait3A_371 : memref<1x40xi32, #tpu.memory_space<vmem>> -> memref<40xi32, #tpu.memory_space<vmem>>
      %dma_wait3A_373 = arith.constant 0 : i32
      %dma_wait3A_374 = arith.constant 0 : i32
      %dma_wait3A_375 = tpu.memref_slice %arg2[%dma_wait3A_373, %dma_wait3A_374] : memref<1000000x64xf32, #tpu.memory_space<hbm>> -> memref<1000000x64xf32, #tpu.memory_space<hbm>>
      tpu.wait_indirect_dma semaphore(%arg10 : memref<!tpu.dma_semaphore, #tpu.memory_space<semaphore_mem>>) src(%dma_wait3A_375 : memref<1000000x64xf32, #tpu.memory_space<hbm>>) dst(%dma_wait3A_369 : memref<40x64xf32, #tpu.memory_space<vmem>>)
      %parallel_loop3A_376 = arith.constant 0 : i32
      %parallel_loop3A_377 = arith.constant 200 : i32
      %parallel_loop3A_378 = arith.constant 1 : i32
      scf.for %parallel_loop3A_595 = %parallel_loop3A_376 to %parallel_loop3A_377 step %parallel_loop3A_378  : i32 {
        %parallel_loop3A_596 = arith.constant 1 : i32
        %parallel_loop3A_597 = arith.index_cast %parallel_loop3A_596 : i32 to index
        %parallel_loop3A_598 = arith.index_cast %parallel_loop3A_595 : i32 to index
        %parallel_loop3A_599 = arith.constant 0 : index
        %parallel_loop3A_600 = tpu.vector_load %arg8[%parallel_loop3A_597, %parallel_loop3A_598, %parallel_loop3A_599] {strides = array<i32>} : memref<4x200x64xf32, #tpu.memory_space<vmem>>, vector<1x1x16xf32>,
        %parallel_loop3A_601 = vector.shape_cast %parallel_loop3A_600 : vector<1x1x16xf32> to vector<16xf32>
        %parallel_loop3A_602 = arith.index_cast %parallel_loop3A_595 : i32 to index
        %parallel_loop3A_603 = arith.constant 0 : index
        %parallel_loop3A_604 = tpu.vector_load %arg7[%parallel_loop3A_602, %parallel_loop3A_603] {strides = array<i32>} : memref<200x64xf32, #tpu.memory_space<vmem>>, vector<1x16xf32>,
        %parallel_loop3A_605 = vector.shape_cast %parallel_loop3A_604 : vector<1x16xf32> to vector<16xf32>
        %parallel_loop3A_606 = arith.addf %parallel_loop3A_601, %parallel_loop3A_605 : vector<16xf32>
        %parallel_loop3A_607 = arith.constant 1 : i32
        %parallel_loop3A_608 = arith.index_cast %parallel_loop3A_607 : i32 to index
        %parallel_loop3A_609 = arith.index_cast %parallel_loop3A_595 : i32 to index
        %parallel_loop3A_610 = arith.constant 0 : index
        %parallel_loop3A_611 = tpu.vector_load %arg8[%parallel_loop3A_608, %parallel_loop3A_609, %parallel_loop3A_610] {strides = array<i32>} : memref<4x200x64xf32, #tpu.memory_space<vmem>>, vector<1x1x16xf32>,
        %parallel_loop3A_612 = vector.shape_cast %parallel_loop3A_611 : vector<1x1x16xf32> to vector<16xf32>
        %parallel_loop3A_613 = vector.shape_cast %parallel_loop3A_606 : vector<16xf32> to vector<1x1x16xf32>
        tpu.vector_store %arg8[%parallel_loop3A_608, %parallel_loop3A_609, %parallel_loop3A_610], %parallel_loop3A_613 {strides = array<i32>} : memref<4x200x64xf32, #tpu.memory_space<vmem>>, vector<1x1x16xf32>,
        %parallel_loop3A_614 = arith.constant 1 : i32
        %parallel_loop3A_615 = arith.index_cast %parallel_loop3A_614 : i32 to index
        %parallel_loop3A_616 = arith.index_cast %parallel_loop3A_595 : i32 to index
        %parallel_loop3A_617 = arith.constant 16 : index
        %parallel_loop3A_618 = tpu.vector_load %arg8[%parallel_loop3A_615, %parallel_loop3A_616, %parallel_loop3A_617] {strides = array<i32>} : memref<4x200x64xf32, #tpu.memory_space<vmem>>, vector<1x1x16xf32>,
        %parallel_loop3A_619 = vector.shape_cast %parallel_loop3A_618 : vector<1x1x16xf32> to vector<16xf32>
        %parallel_loop3A_620 = arith.index_cast %parallel_loop3A_595 : i32 to index
        %parallel_loop3A_621 = arith.constant 16 : index
        %parallel_loop3A_622 = tpu.vector_load %arg7[%parallel_loop3A_620, %parallel_loop3A_621] {strides = array<i32>} : memref<200x64xf32, #tpu.memory_space<vmem>>, vector<1x16xf32>,
        %parallel_loop3A_623 = vector.shape_cast %parallel_loop3A_622 : vector<1x16xf32> to vector<16xf32>
        %parallel_loop3A_624 = arith.addf %parallel_loop3A_619, %parallel_loop3A_623 : vector<16xf32>
        %parallel_loop3A_625 = arith.constant 1 : i32
        %parallel_loop3A_626 = arith.index_cast %parallel_loop3A_625 : i32 to index
        %parallel_loop3A_627 = arith.index_cast %parallel_loop3A_595 : i32 to index
        %parallel_loop3A_628 = arith.constant 16 : index
        %parallel_loop3A_629 = tpu.vector_load %arg8[%parallel_loop3A_626, %parallel_loop3A_627, %parallel_loop3A_628] {strides = array<i32>} : memref<4x200x64xf32, #tpu.memory_space<vmem>>, vector<1x1x16xf32>,
        %parallel_loop3A_630 = vector.shape_cast %parallel_loop3A_629 : vector<1x1x16xf32> to vector<16xf32>
        %parallel_loop3A_631 = vector.shape_cast %parallel_loop3A_624 : vector<16xf32> to vector<1x1x16xf32>
        tpu.vector_store %arg8[%parallel_loop3A_626, %parallel_loop3A_627, %parallel_loop3A_628], %parallel_loop3A_631 {strides = array<i32>} : memref<4x200x64xf32, #tpu.memory_space<vmem>>, vector<1x1x16xf32>,
        %parallel_loop3A_632 = arith.constant 1 : i32
        %parallel_loop3A_633 = arith.index_cast %parallel_loop3A_632 : i32 to index
        %parallel_loop3A_634 = arith.index_cast %parallel_loop3A_595 : i32 to index
        %parallel_loop3A_635 = arith.constant 32 : index
        %parallel_loop3A_636 = tpu.vector_load %arg8[%parallel_loop3A_633, %parallel_loop3A_634, %parallel_loop3A_635] {strides = array<i32>} : memref<4x200x64xf32, #tpu.memory_space<vmem>>, vector<1x1x16xf32>,
        %parallel_loop3A_637 = vector.shape_cast %parallel_loop3A_636 : vector<1x1x16xf32> to vector<16xf32>
        %parallel_loop3A_638 = arith.index_cast %parallel_loop3A_595 : i32 to index
        %parallel_loop3A_639 = arith.constant 32 : index
        %parallel_loop3A_640 = tpu.vector_load %arg7[%parallel_loop3A_638, %parallel_loop3A_639] {strides = array<i32>} : memref<200x64xf32, #tpu.memory_space<vmem>>, vector<1x16xf32>,
        %parallel_loop3A_641 = vector.shape_cast %parallel_loop3A_640 : vector<1x16xf32> to vector<16xf32>
        %parallel_loop3A_642 = arith.addf %parallel_loop3A_637, %parallel_loop3A_641 : vector<16xf32>
        %parallel_loop3A_643 = arith.constant 1 : i32
        %parallel_loop3A_644 = arith.index_cast %parallel_loop3A_643 : i32 to index
        %parallel_loop3A_645 = arith.index_cast %parallel_loop3A_595 : i32 to index
        %parallel_loop3A_646 = arith.constant 32 : index
        %parallel_loop3A_647 = tpu.vector_load %arg8[%parallel_loop3A_644, %parallel_loop3A_645, %parallel_loop3A_646] {strides = array<i32>} : memref<4x200x64xf32, #tpu.memory_space<vmem>>, vector<1x1x16xf32>,
        %parallel_loop3A_648 = vector.shape_cast %parallel_loop3A_647 : vector<1x1x16xf32> to vector<16xf32>
        %parallel_loop3A_649 = vector.shape_cast %parallel_loop3A_642 : vector<16xf32> to vector<1x1x16xf32>
        tpu.vector_store %arg8[%parallel_loop3A_644, %parallel_loop3A_645, %parallel_loop3A_646], %parallel_loop3A_649 {strides = array<i32>} : memref<4x200x64xf32, #tpu.memory_space<vmem>>, vector<1x1x16xf32>,
        %parallel_loop3A_650 = arith.constant 1 : i32
        %parallel_loop3A_651 = arith.index_cast %parallel_loop3A_650 : i32 to index
        %parallel_loop3A_652 = arith.index_cast %parallel_loop3A_595 : i32 to index
        %parallel_loop3A_653 = arith.constant 48 : index
        %parallel_loop3A_654 = tpu.vector_load %arg8[%parallel_loop3A_651, %parallel_loop3A_652, %parallel_loop3A_653] {strides = array<i32>} : memref<4x200x64xf32, #tpu.memory_space<vmem>>, vector<1x1x16xf32>,
        %parallel_loop3A_655 = vector.shape_cast %parallel_loop3A_654 : vector<1x1x16xf32> to vector<16xf32>
        %parallel_loop3A_656 = arith.index_cast %parallel_loop3A_595 : i32 to index
        %parallel_loop3A_657 = arith.constant 48 : index
        %parallel_loop3A_658 = tpu.vector_load %arg7[%parallel_loop3A_656, %parallel_loop3A_657] {strides = array<i32>} : memref<200x64xf32, #tpu.memory_space<vmem>>, vector<1x16xf32>,
        %parallel_loop3A_659 = vector.shape_cast %parallel_loop3A_658 : vector<1x16xf32> to vector<16xf32>
        %parallel_loop3A_660 = arith.addf %parallel_loop3A_655, %parallel_loop3A_659 : vector<16xf32>
        %parallel_loop3A_661 = arith.constant 1 : i32
        %parallel_loop3A_662 = arith.index_cast %parallel_loop3A_661 : i32 to index
        %parallel_loop3A_663 = arith.index_cast %parallel_loop3A_595 : i32 to index
        %parallel_loop3A_664 = arith.constant 48 : index
        %parallel_loop3A_665 = tpu.vector_load %arg8[%parallel_loop3A_662, %parallel_loop3A_663, %parallel_loop3A_664] {strides = array<i32>} : memref<4x200x64xf32, #tpu.memory_space<vmem>>, vector<1x1x16xf32>,
        %parallel_loop3A_666 = vector.shape_cast %parallel_loop3A_665 : vector<1x1x16xf32> to vector<16xf32>
        %parallel_loop3A_667 = vector.shape_cast %parallel_loop3A_660 : vector<16xf32> to vector<1x1x16xf32>
        tpu.vector_store %arg8[%parallel_loop3A_662, %parallel_loop3A_663, %parallel_loop3A_664], %parallel_loop3A_667 {strides = array<i32>} : memref<4x200x64xf32, #tpu.memory_space<vmem>>, vector<1x1x16xf32>,
      } {sc.loop_unroll_factor = 4 : i64, sc.parallel_access}
      %add3A_379 = arith.addi %mul3A_2, %add3A_301 : i32
      %dma_start3A_380 = arith.constant 1 : i32
      %dma_start3A_381 = arith.constant 0 : i32
      %dma_start3A_382 = arith.constant 0 : i32
      %dma_start3A_383 = tpu.memref_slice %arg8[%dma_start3A_380, %dma_start3A_381, %dma_start3A_382] : memref<4x200x64xf32, #tpu.memory_space<vmem>> -> memref<1x200x64xf32, #tpu.memory_space<vmem>>
      %dma_start3A_384 = tpu.memref_squeeze %dma_start3A_383 : memref<1x200x64xf32, #tpu.memory_space<vmem>> -> memref<200x64xf32, #tpu.memory_space<vmem>>
      %dma_start3A_385 = arith.constant 0 : i32
      %dma_start3A_386 = arith.constant 0 : i32
      %dma_start3A_387 = tpu.memref_slice %arg5[%add3A_379, %dma_start3A_385, %dma_start3A_386] : memref<4096x200x64xf32, #tpu.memory_space<hbm>> -> memref<1x200x64xf32, #tpu.memory_space<hbm>>
      %dma_start3A_388 = tpu.memref_squeeze %dma_start3A_387 : memref<1x200x64xf32, #tpu.memory_space<hbm>> -> memref<200x64xf32, #tpu.memory_space<hbm>>
      %dma_start3A_389 = arith.constant 0 : i32
      %dma_start3A_390 = arith.constant 0 : i32
      %dma_start3A_391 = tpu.memref_slice %arg5[%add3A_379, %dma_start3A_389, %dma_start3A_390] : memref<4096x200x64xf32, #tpu.memory_space<hbm>> -> memref<1x200x64xf32, #tpu.memory_space<hbm>>
      %dma_start3A_392 = tpu.memref_squeeze %dma_start3A_391 : memref<1x200x64xf32, #tpu.memory_space<hbm>> -> memref<200x64xf32, #tpu.memory_space<hbm>>
      %dma_start3A_393 = arith.constant 0 : i32
      %dma_start3A_394 = arith.constant 0 : i32
      %dma_start3A_395 = tpu.memref_slice %arg8[%dma_start3A_380, %dma_start3A_393, %dma_start3A_394] : memref<4x200x64xf32, #tpu.memory_space<vmem>> -> memref<1x200x64xf32, #tpu.memory_space<vmem>>
      %dma_start3A_396 = tpu.memref_squeeze %dma_start3A_395 : memref<1x200x64xf32, #tpu.memory_space<vmem>> -> memref<200x64xf32, #tpu.memory_space<vmem>>
      tpu.enqueue_dma source(%dma_start3A_396 : memref<200x64xf32, #tpu.memory_space<vmem>>) target(%dma_start3A_392 : memref<200x64xf32, #tpu.memory_space<hbm>>) target_semaphore(%arg14 : memref<!tpu.dma_semaphore, #tpu.memory_space<semaphore_mem>>)
      %mul3A_397 = arith.constant 4 : i32
      %mul3A_398 = arith.muli %scan3A_204, %mul3A_397 : i32
      %add3A_399 = arith.constant 2 : i32
      %add3A_400 = arith.addi %mul3A_398, %add3A_399 : i32
      %ge3A_401 = arith.constant 1 : i32
      %ge3A_402 = arith.cmpi sge, %add3A_400, %ge3A_401 : i32
      %convert_element_type3A_403 = arith.extui %ge3A_402 : i1 to i32
      %cond3A_404 = arith.constant 0 : i32
      %cond3A_405 = arith.cmpi ne, %convert_element_type3A_403, %cond3A_404 : i32
      scf.if %cond3A_405 {
        %dma_wait3A_595 = arith.constant 1 : i32
        %dma_wait3A_596 = arith.constant 0 : i32
        %dma_wait3A_597 = arith.constant 0 : i32
        %dma_wait3A_598 = arith.constant 0 : i32
        %dma_wait3A_599 = tpu.memref_slice %arg8[%dma_wait3A_595, %dma_wait3A_597, %dma_wait3A_598] : memref<4x200x64xf32, #tpu.memory_space<vmem>> -> memref<1x200x64xf32, #tpu.memory_space<vmem>>
        %dma_wait3A_600 = tpu.memref_squeeze %dma_wait3A_599 : memref<1x200x64xf32, #tpu.memory_space<vmem>> -> memref<200x64xf32, #tpu.memory_space<vmem>>
        %dma_wait3A_601 = arith.constant 0 : i32
        %dma_wait3A_602 = arith.constant 0 : i32
        %dma_wait3A_603 = tpu.memref_slice %arg5[%dma_wait3A_596, %dma_wait3A_601, %dma_wait3A_602] : memref<4096x200x64xf32, #tpu.memory_space<hbm>> -> memref<1x200x64xf32, #tpu.memory_space<hbm>>
        %dma_wait3A_604 = tpu.memref_squeeze %dma_wait3A_603 : memref<1x200x64xf32, #tpu.memory_space<hbm>> -> memref<200x64xf32, #tpu.memory_space<hbm>>
        %dma_wait3A_605 = arith.constant 0 : i32
        %dma_wait3A_606 = arith.constant 0 : i32
        %dma_wait3A_607 = tpu.memref_slice %arg5[%dma_wait3A_596, %dma_wait3A_605, %dma_wait3A_606] : memref<4096x200x64xf32, #tpu.memory_space<hbm>> -> memref<1x200x64xf32, #tpu.memory_space<hbm>>
        %dma_wait3A_608 = tpu.memref_squeeze %dma_wait3A_607 : memref<1x200x64xf32, #tpu.memory_space<hbm>> -> memref<200x64xf32, #tpu.memory_space<hbm>>
        %dma_wait3A_609 = arith.constant 0 : i32
        %dma_wait3A_610 = arith.constant 0 : i32
        %dma_wait3A_611 = tpu.memref_slice %arg8[%dma_wait3A_595, %dma_wait3A_609, %dma_wait3A_610] : memref<4x200x64xf32, #tpu.memory_space<vmem>> -> memref<1x200x64xf32, #tpu.memory_space<vmem>>
        %dma_wait3A_612 = tpu.memref_squeeze %dma_wait3A_611 : memref<1x200x64xf32, #tpu.memory_space<vmem>> -> memref<200x64xf32, #tpu.memory_space<vmem>>
        tpu.wait_dma2 semaphore(%arg14 : memref<!tpu.dma_semaphore, #tpu.memory_space<semaphore_mem>>) src(%dma_wait3A_612 : memref<200x64xf32, #tpu.memory_space<vmem>>) dst(%dma_wait3A_608 : memref<200x64xf32, #tpu.memory_space<hbm>>)
      } else {
      }
      %add3A_406 = arith.constant 4 : i32
      %add3A_407 = arith.addi %add3A_400, %add3A_406 : i32
      %sub3A_408 = arith.constant 1 : i32
      %sub3A_409 = arith.subi %add3A_407, %sub3A_408 : i32
      %lt3A_410 = arith.constant 128 : i32
      %lt3A_411 = arith.cmpi slt, %sub3A_409, %lt3A_410 : i32
      %convert_element_type3A_412 = arith.extui %lt3A_411 : i1 to i32
      %cond3A_413 = arith.constant 0 : i32
      %cond3A_414 = arith.cmpi ne, %convert_element_type3A_412, %cond3A_413 : i32
      scf.if %cond3A_414 {
        %add3A_595 = arith.constant 4 : i32
        %add3A_596 = arith.addi %add3A_400, %add3A_595 : i32
        %sub3A_597 = arith.constant 1 : i32
        %sub3A_598 = arith.subi %add3A_596, %sub3A_597 : i32
        %dma_start3A_599 = arith.constant 1 : i32
        %dma_start3A_600 = arith.constant 0 : i32
        %dma_start3A_601 = arith.constant 0 : i32
        %dma_start3A_602 = tpu.memref_slice %arg8[%dma_start3A_599, %dma_start3A_600, %dma_start3A_601] : memref<4x200x64xf32, #tpu.memory_space<vmem>> -> memref<1x40x64xf32, #tpu.memory_space<vmem>>
        %dma_start3A_603 = tpu.memref_squeeze %dma_start3A_602 : memref<1x40x64xf32, #tpu.memory_space<vmem>> -> memref<40x64xf32, #tpu.memory_space<vmem>>
        %dma_start3A_604 = arith.constant 0 : i32
        %dma_start3A_605 = tpu.memref_slice %arg6[%sub3A_598, %dma_start3A_604] : memref<128x200xi32, #tpu.memory_space<vmem>> -> memref<1x40xi32, #tpu.memory_space<vmem>>
        %dma_start3A_606 = tpu.memref_squeeze %dma_start3A_605 : memref<1x40xi32, #tpu.memory_space<vmem>> -> memref<40xi32, #tpu.memory_space<vmem>>
        %dma_start3A_607 = arith.constant 0 : i32
        %dma_start3A_608 = arith.constant 0 : i32
        %dma_start3A_609 = tpu.memref_slice %arg2[%dma_start3A_607, %dma_start3A_608] : memref<1000000x64xf32, #tpu.memory_space<hbm>> -> memref<1000000x64xf32, #tpu.memory_space<hbm>>
        tpu.enqueue_indirect_dma source(%dma_start3A_609 : memref<1000000x64xf32, #tpu.memory_space<hbm>>) target(%dma_start3A_603 : memref<40x64xf32, #tpu.memory_space<vmem>>) offsets(%dma_start3A_606 : memref<40xi32, #tpu.memory_space<vmem>>) semaphore(%arg10 : memref<!tpu.dma_semaphore, #tpu.memory_space<semaphore_mem>>)
        %dma_start3A_610 = arith.constant 1 : i32
        %dma_start3A_611 = arith.constant 40 : i32
        %dma_start3A_612 = arith.constant 0 : i32
        %dma_start3A_613 = tpu.memref_slice %arg8[%dma_start3A_610, %dma_start3A_611, %dma_start3A_612] : memref<4x200x64xf32, #tpu.memory_space<vmem>> -> memref<1x40x64xf32, #tpu.memory_space<vmem>>
        %dma_start3A_614 = tpu.memref_squeeze %dma_start3A_613 : memref<1x40x64xf32, #tpu.memory_space<vmem>> -> memref<40x64xf32, #tpu.memory_space<vmem>>
        %dma_start3A_615 = arith.constant 40 : i32
        %dma_start3A_616 = tpu.memref_slice %arg6[%sub3A_598, %dma_start3A_615] : memref<128x200xi32, #tpu.memory_space<vmem>> -> memref<1x40xi32, #tpu.memory_space<vmem>>
        %dma_start3A_617 = tpu.memref_squeeze %dma_start3A_616 : memref<1x40xi32, #tpu.memory_space<vmem>> -> memref<40xi32, #tpu.memory_space<vmem>>
        %dma_start3A_618 = arith.constant 0 : i32
        %dma_start3A_619 = arith.constant 0 : i32
        %dma_start3A_620 = tpu.memref_slice %arg2[%dma_start3A_618, %dma_start3A_619] : memref<1000000x64xf32, #tpu.memory_space<hbm>> -> memref<1000000x64xf32, #tpu.memory_space<hbm>>
        tpu.enqueue_indirect_dma source(%dma_start3A_620 : memref<1000000x64xf32, #tpu.memory_space<hbm>>) target(%dma_start3A_614 : memref<40x64xf32, #tpu.memory_space<vmem>>) offsets(%dma_start3A_617 : memref<40xi32, #tpu.memory_space<vmem>>) semaphore(%arg10 : memref<!tpu.dma_semaphore, #tpu.memory_space<semaphore_mem>>)
        %dma_start3A_621 = arith.constant 1 : i32
        %dma_start3A_622 = arith.constant 80 : i32
        %dma_start3A_623 = arith.constant 0 : i32
        %dma_start3A_624 = tpu.memref_slice %arg8[%dma_start3A_621, %dma_start3A_622, %dma_start3A_623] : memref<4x200x64xf32, #tpu.memory_space<vmem>> -> memref<1x40x64xf32, #tpu.memory_space<vmem>>
        %dma_start3A_625 = tpu.memref_squeeze %dma_start3A_624 : memref<1x40x64xf32, #tpu.memory_space<vmem>> -> memref<40x64xf32, #tpu.memory_space<vmem>>
        %dma_start3A_626 = arith.constant 80 : i32
        %dma_start3A_627 = tpu.memref_slice %arg6[%sub3A_598, %dma_start3A_626] : memref<128x200xi32, #tpu.memory_space<vmem>> -> memref<1x40xi32, #tpu.memory_space<vmem>>
        %dma_start3A_628 = tpu.memref_squeeze %dma_start3A_627 : memref<1x40xi32, #tpu.memory_space<vmem>> -> memref<40xi32, #tpu.memory_space<vmem>>
        %dma_start3A_629 = arith.constant 0 : i32
        %dma_start3A_630 = arith.constant 0 : i32
        %dma_start3A_631 = tpu.memref_slice %arg2[%dma_start3A_629, %dma_start3A_630] : memref<1000000x64xf32, #tpu.memory_space<hbm>> -> memref<1000000x64xf32, #tpu.memory_space<hbm>>
        tpu.enqueue_indirect_dma source(%dma_start3A_631 : memref<1000000x64xf32, #tpu.memory_space<hbm>>) target(%dma_start3A_625 : memref<40x64xf32, #tpu.memory_space<vmem>>) offsets(%dma_start3A_628 : memref<40xi32, #tpu.memory_space<vmem>>) semaphore(%arg10 : memref<!tpu.dma_semaphore, #tpu.memory_space<semaphore_mem>>)
        %dma_start3A_632 = arith.constant 1 : i32
        %dma_start3A_633 = arith.constant 120 : i32
        %dma_start3A_634 = arith.constant 0 : i32
        %dma_start3A_635 = tpu.memref_slice %arg8[%dma_start3A_632, %dma_start3A_633, %dma_start3A_634] : memref<4x200x64xf32, #tpu.memory_space<vmem>> -> memref<1x40x64xf32, #tpu.memory_space<vmem>>
        %dma_start3A_636 = tpu.memref_squeeze %dma_start3A_635 : memref<1x40x64xf32, #tpu.memory_space<vmem>> -> memref<40x64xf32, #tpu.memory_space<vmem>>
        %dma_start3A_637 = arith.constant 120 : i32
        %dma_start3A_638 = tpu.memref_slice %arg6[%sub3A_598, %dma_start3A_637] : memref<128x200xi32, #tpu.memory_space<vmem>> -> memref<1x40xi32, #tpu.memory_space<vmem>>
        %dma_start3A_639 = tpu.memref_squeeze %dma_start3A_638 : memref<1x40xi32, #tpu.memory_space<vmem>> -> memref<40xi32, #tpu.memory_space<vmem>>
        %dma_start3A_640 = arith.constant 0 : i32
        %dma_start3A_641 = arith.constant 0 : i32
        %dma_start3A_642 = tpu.memref_slice %arg2[%dma_start3A_640, %dma_start3A_641] : memref<1000000x64xf32, #tpu.memory_space<hbm>> -> memref<1000000x64xf32, #tpu.memory_space<hbm>>
        tpu.enqueue_indirect_dma source(%dma_start3A_642 : memref<1000000x64xf32, #tpu.memory_space<hbm>>) target(%dma_start3A_636 : memref<40x64xf32, #tpu.memory_space<vmem>>) offsets(%dma_start3A_639 : memref<40xi32, #tpu.memory_space<vmem>>) semaphore(%arg10 : memref<!tpu.dma_semaphore, #tpu.memory_space<semaphore_mem>>)
        %dma_start3A_643 = arith.constant 1 : i32
        %dma_start3A_644 = arith.constant 160 : i32
        %dma_start3A_645 = arith.constant 0 : i32
        %dma_start3A_646 = tpu.memref_slice %arg8[%dma_start3A_643, %dma_start3A_644, %dma_start3A_645] : memref<4x200x64xf32, #tpu.memory_space<vmem>> -> memref<1x40x64xf32, #tpu.memory_space<vmem>>
        %dma_start3A_647 = tpu.memref_squeeze %dma_start3A_646 : memref<1x40x64xf32, #tpu.memory_space<vmem>> -> memref<40x64xf32, #tpu.memory_space<vmem>>
        %dma_start3A_648 = arith.constant 160 : i32
        %dma_start3A_649 = tpu.memref_slice %arg6[%sub3A_598, %dma_start3A_648] : memref<128x200xi32, #tpu.memory_space<vmem>> -> memref<1x40xi32, #tpu.memory_space<vmem>>
        %dma_start3A_650 = tpu.memref_squeeze %dma_start3A_649 : memref<1x40xi32, #tpu.memory_space<vmem>> -> memref<40xi32, #tpu.memory_space<vmem>>
        %dma_start3A_651 = arith.constant 0 : i32
        %dma_start3A_652 = arith.constant 0 : i32
        %dma_start3A_653 = tpu.memref_slice %arg2[%dma_start3A_651, %dma_start3A_652] : memref<1000000x64xf32, #tpu.memory_space<hbm>> -> memref<1000000x64xf32, #tpu.memory_space<hbm>>
        tpu.enqueue_indirect_dma source(%dma_start3A_653 : memref<1000000x64xf32, #tpu.memory_space<hbm>>) target(%dma_start3A_647 : memref<40x64xf32, #tpu.memory_space<vmem>>) offsets(%dma_start3A_650 : memref<40xi32, #tpu.memory_space<vmem>>) semaphore(%arg10 : memref<!tpu.dma_semaphore, #tpu.memory_space<semaphore_mem>>)
      } else {
      }
      %dma_wait3A_415 = arith.constant 0 : i32
      %dma_wait3A_416 = arith.constant 2 : i32
      %dma_wait3A_417 = arith.constant 0 : i32
      %dma_wait3A_418 = arith.constant 0 : i32
      %dma_wait3A_419 = tpu.memref_slice %arg8[%dma_wait3A_416, %dma_wait3A_417, %dma_wait3A_418] : memref<4x200x64xf32, #tpu.memory_space<vmem>> -> memref<1x40x64xf32, #tpu.memory_space<vmem>>
      %dma_wait3A_420 = tpu.memref_squeeze %dma_wait3A_419 : memref<1x40x64xf32, #tpu.memory_space<vmem>> -> memref<40x64xf32, #tpu.memory_space<vmem>>
      %dma_wait3A_421 = arith.constant 0 : i32
      %dma_wait3A_422 = tpu.memref_slice %arg6[%dma_wait3A_415, %dma_wait3A_421] : memref<128x200xi32, #tpu.memory_space<vmem>> -> memref<1x40xi32, #tpu.memory_space<vmem>>
      %dma_wait3A_423 = tpu.memref_squeeze %dma_wait3A_422 : memref<1x40xi32, #tpu.memory_space<vmem>> -> memref<40xi32, #tpu.memory_space<vmem>>
      %dma_wait3A_424 = arith.constant 0 : i32
      %dma_wait3A_425 = arith.constant 0 : i32
      %dma_wait3A_426 = tpu.memref_slice %arg2[%dma_wait3A_424, %dma_wait3A_425] : memref<1000000x64xf32, #tpu.memory_space<hbm>> -> memref<1000000x64xf32, #tpu.memory_space<hbm>>
      tpu.wait_indirect_dma semaphore(%arg11 : memref<!tpu.dma_semaphore, #tpu.memory_space<semaphore_mem>>) src(%dma_wait3A_426 : memref<1000000x64xf32, #tpu.memory_space<hbm>>) dst(%dma_wait3A_420 : memref<40x64xf32, #tpu.memory_space<vmem>>)
      %dma_wait3A_427 = arith.constant 0 : i32
      %dma_wait3A_428 = arith.constant 2 : i32
      %dma_wait3A_429 = arith.constant 40 : i32
      %dma_wait3A_430 = arith.constant 0 : i32
      %dma_wait3A_431 = tpu.memref_slice %arg8[%dma_wait3A_428, %dma_wait3A_429, %dma_wait3A_430] : memref<4x200x64xf32, #tpu.memory_space<vmem>> -> memref<1x40x64xf32, #tpu.memory_space<vmem>>
      %dma_wait3A_432 = tpu.memref_squeeze %dma_wait3A_431 : memref<1x40x64xf32, #tpu.memory_space<vmem>> -> memref<40x64xf32, #tpu.memory_space<vmem>>
      %dma_wait3A_433 = arith.constant 0 : i32
      %dma_wait3A_434 = tpu.memref_slice %arg6[%dma_wait3A_427, %dma_wait3A_433] : memref<128x200xi32, #tpu.memory_space<vmem>> -> memref<1x40xi32, #tpu.memory_space<vmem>>
      %dma_wait3A_435 = tpu.memref_squeeze %dma_wait3A_434 : memref<1x40xi32, #tpu.memory_space<vmem>> -> memref<40xi32, #tpu.memory_space<vmem>>
      %dma_wait3A_436 = arith.constant 0 : i32
      %dma_wait3A_437 = arith.constant 0 : i32
      %dma_wait3A_438 = tpu.memref_slice %arg2[%dma_wait3A_436, %dma_wait3A_437] : memref<1000000x64xf32, #tpu.memory_space<hbm>> -> memref<1000000x64xf32, #tpu.memory_space<hbm>>
      tpu.wait_indirect_dma semaphore(%arg11 : memref<!tpu.dma_semaphore, #tpu.memory_space<semaphore_mem>>) src(%dma_wait3A_438 : memref<1000000x64xf32, #tpu.memory_space<hbm>>) dst(%dma_wait3A_432 : memref<40x64xf32, #tpu.memory_space<vmem>>)
      %dma_wait3A_439 = arith.constant 0 : i32
      %dma_wait3A_440 = arith.constant 2 : i32
      %dma_wait3A_441 = arith.constant 80 : i32
      %dma_wait3A_442 = arith.constant 0 : i32
      %dma_wait3A_443 = tpu.memref_slice %arg8[%dma_wait3A_440, %dma_wait3A_441, %dma_wait3A_442] : memref<4x200x64xf32, #tpu.memory_space<vmem>> -> memref<1x40x64xf32, #tpu.memory_space<vmem>>
      %dma_wait3A_444 = tpu.memref_squeeze %dma_wait3A_443 : memref<1x40x64xf32, #tpu.memory_space<vmem>> -> memref<40x64xf32, #tpu.memory_space<vmem>>
      %dma_wait3A_445 = arith.constant 0 : i32
      %dma_wait3A_446 = tpu.memref_slice %arg6[%dma_wait3A_439, %dma_wait3A_445] : memref<128x200xi32, #tpu.memory_space<vmem>> -> memref<1x40xi32, #tpu.memory_space<vmem>>
      %dma_wait3A_447 = tpu.memref_squeeze %dma_wait3A_446 : memref<1x40xi32, #tpu.memory_space<vmem>> -> memref<40xi32, #tpu.memory_space<vmem>>
      %dma_wait3A_448 = arith.constant 0 : i32
      %dma_wait3A_449 = arith.constant 0 : i32
      %dma_wait3A_450 = tpu.memref_slice %arg2[%dma_wait3A_448, %dma_wait3A_449] : memref<1000000x64xf32, #tpu.memory_space<hbm>> -> memref<1000000x64xf32, #tpu.memory_space<hbm>>
      tpu.wait_indirect_dma semaphore(%arg11 : memref<!tpu.dma_semaphore, #tpu.memory_space<semaphore_mem>>) src(%dma_wait3A_450 : memref<1000000x64xf32, #tpu.memory_space<hbm>>) dst(%dma_wait3A_444 : memref<40x64xf32, #tpu.memory_space<vmem>>)
      %dma_wait3A_451 = arith.constant 0 : i32
      %dma_wait3A_452 = arith.constant 2 : i32
      %dma_wait3A_453 = arith.constant 120 : i32
      %dma_wait3A_454 = arith.constant 0 : i32
      %dma_wait3A_455 = tpu.memref_slice %arg8[%dma_wait3A_452, %dma_wait3A_453, %dma_wait3A_454] : memref<4x200x64xf32, #tpu.memory_space<vmem>> -> memref<1x40x64xf32, #tpu.memory_space<vmem>>
      %dma_wait3A_456 = tpu.memref_squeeze %dma_wait3A_455 : memref<1x40x64xf32, #tpu.memory_space<vmem>> -> memref<40x64xf32, #tpu.memory_space<vmem>>
      %dma_wait3A_457 = arith.constant 0 : i32
      %dma_wait3A_458 = tpu.memref_slice %arg6[%dma_wait3A_451, %dma_wait3A_457] : memref<128x200xi32, #tpu.memory_space<vmem>> -> memref<1x40xi32, #tpu.memory_space<vmem>>
      %dma_wait3A_459 = tpu.memref_squeeze %dma_wait3A_458 : memref<1x40xi32, #tpu.memory_space<vmem>> -> memref<40xi32, #tpu.memory_space<vmem>>
      %dma_wait3A_460 = arith.constant 0 : i32
      %dma_wait3A_461 = arith.constant 0 : i32
      %dma_wait3A_462 = tpu.memref_slice %arg2[%dma_wait3A_460, %dma_wait3A_461] : memref<1000000x64xf32, #tpu.memory_space<hbm>> -> memref<1000000x64xf32, #tpu.memory_space<hbm>>
      tpu.wait_indirect_dma semaphore(%arg11 : memref<!tpu.dma_semaphore, #tpu.memory_space<semaphore_mem>>) src(%dma_wait3A_462 : memref<1000000x64xf32, #tpu.memory_space<hbm>>) dst(%dma_wait3A_456 : memref<40x64xf32, #tpu.memory_space<vmem>>)
      %dma_wait3A_463 = arith.constant 0 : i32
      %dma_wait3A_464 = arith.constant 2 : i32
      %dma_wait3A_465 = arith.constant 160 : i32
      %dma_wait3A_466 = arith.constant 0 : i32
      %dma_wait3A_467 = tpu.memref_slice %arg8[%dma_wait3A_464, %dma_wait3A_465, %dma_wait3A_466] : memref<4x200x64xf32, #tpu.memory_space<vmem>> -> memref<1x40x64xf32, #tpu.memory_space<vmem>>
      %dma_wait3A_468 = tpu.memref_squeeze %dma_wait3A_467 : memref<1x40x64xf32, #tpu.memory_space<vmem>> -> memref<40x64xf32, #tpu.memory_space<vmem>>
      %dma_wait3A_469 = arith.constant 0 : i32
      %dma_wait3A_470 = tpu.memref_slice %arg6[%dma_wait3A_463, %dma_wait3A_469] : memref<128x200xi32, #tpu.memory_space<vmem>> -> memref<1x40xi32, #tpu.memory_space<vmem>>
      %dma_wait3A_471 = tpu.memref_squeeze %dma_wait3A_470 : memref<1x40xi32, #tpu.memory_space<vmem>> -> memref<40xi32, #tpu.memory_space<vmem>>
      %dma_wait3A_472 = arith.constant 0 : i32
      %dma_wait3A_473 = arith.constant 0 : i32
      %dma_wait3A_474 = tpu.memref_slice %arg2[%dma_wait3A_472, %dma_wait3A_473] : memref<1000000x64xf32, #tpu.memory_space<hbm>> -> memref<1000000x64xf32, #tpu.memory_space<hbm>>
      tpu.wait_indirect_dma semaphore(%arg11 : memref<!tpu.dma_semaphore, #tpu.memory_space<semaphore_mem>>) src(%dma_wait3A_474 : memref<1000000x64xf32, #tpu.memory_space<hbm>>) dst(%dma_wait3A_468 : memref<40x64xf32, #tpu.memory_space<vmem>>)
      %parallel_loop3A_475 = arith.constant 0 : i32
      %parallel_loop3A_476 = arith.constant 200 : i32
      %parallel_loop3A_477 = arith.constant 1 : i32
      scf.for %parallel_loop3A_595 = %parallel_loop3A_475 to %parallel_loop3A_476 step %parallel_loop3A_477  : i32 {
        %parallel_loop3A_596 = arith.constant 2 : i32
        %parallel_loop3A_597 = arith.index_cast %parallel_loop3A_596 : i32 to index
        %parallel_loop3A_598 = arith.index_cast %parallel_loop3A_595 : i32 to index
        %parallel_loop3A_599 = arith.constant 0 : index
        %parallel_loop3A_600 = tpu.vector_load %arg8[%parallel_loop3A_597, %parallel_loop3A_598, %parallel_loop3A_599] {strides = array<i32>} : memref<4x200x64xf32, #tpu.memory_space<vmem>>, vector<1x1x16xf32>,
        %parallel_loop3A_601 = vector.shape_cast %parallel_loop3A_600 : vector<1x1x16xf32> to vector<16xf32>
        %parallel_loop3A_602 = arith.index_cast %parallel_loop3A_595 : i32 to index
        %parallel_loop3A_603 = arith.constant 0 : index
        %parallel_loop3A_604 = tpu.vector_load %arg7[%parallel_loop3A_602, %parallel_loop3A_603] {strides = array<i32>} : memref<200x64xf32, #tpu.memory_space<vmem>>, vector<1x16xf32>,
        %parallel_loop3A_605 = vector.shape_cast %parallel_loop3A_604 : vector<1x16xf32> to vector<16xf32>
        %parallel_loop3A_606 = arith.addf %parallel_loop3A_601, %parallel_loop3A_605 : vector<16xf32>
        %parallel_loop3A_607 = arith.constant 2 : i32
        %parallel_loop3A_608 = arith.index_cast %parallel_loop3A_607 : i32 to index
        %parallel_loop3A_609 = arith.index_cast %parallel_loop3A_595 : i32 to index
        %parallel_loop3A_610 = arith.constant 0 : index
        %parallel_loop3A_611 = tpu.vector_load %arg8[%parallel_loop3A_608, %parallel_loop3A_609, %parallel_loop3A_610] {strides = array<i32>} : memref<4x200x64xf32, #tpu.memory_space<vmem>>, vector<1x1x16xf32>,
        %parallel_loop3A_612 = vector.shape_cast %parallel_loop3A_611 : vector<1x1x16xf32> to vector<16xf32>
        %parallel_loop3A_613 = vector.shape_cast %parallel_loop3A_606 : vector<16xf32> to vector<1x1x16xf32>
        tpu.vector_store %arg8[%parallel_loop3A_608, %parallel_loop3A_609, %parallel_loop3A_610], %parallel_loop3A_613 {strides = array<i32>} : memref<4x200x64xf32, #tpu.memory_space<vmem>>, vector<1x1x16xf32>,
        %parallel_loop3A_614 = arith.constant 2 : i32
        %parallel_loop3A_615 = arith.index_cast %parallel_loop3A_614 : i32 to index
        %parallel_loop3A_616 = arith.index_cast %parallel_loop3A_595 : i32 to index
        %parallel_loop3A_617 = arith.constant 16 : index
        %parallel_loop3A_618 = tpu.vector_load %arg8[%parallel_loop3A_615, %parallel_loop3A_616, %parallel_loop3A_617] {strides = array<i32>} : memref<4x200x64xf32, #tpu.memory_space<vmem>>, vector<1x1x16xf32>,
        %parallel_loop3A_619 = vector.shape_cast %parallel_loop3A_618 : vector<1x1x16xf32> to vector<16xf32>
        %parallel_loop3A_620 = arith.index_cast %parallel_loop3A_595 : i32 to index
        %parallel_loop3A_621 = arith.constant 16 : index
        %parallel_loop3A_622 = tpu.vector_load %arg7[%parallel_loop3A_620, %parallel_loop3A_621] {strides = array<i32>} : memref<200x64xf32, #tpu.memory_space<vmem>>, vector<1x16xf32>,
        %parallel_loop3A_623 = vector.shape_cast %parallel_loop3A_622 : vector<1x16xf32> to vector<16xf32>
        %parallel_loop3A_624 = arith.addf %parallel_loop3A_619, %parallel_loop3A_623 : vector<16xf32>
        %parallel_loop3A_625 = arith.constant 2 : i32
        %parallel_loop3A_626 = arith.index_cast %parallel_loop3A_625 : i32 to index
        %parallel_loop3A_627 = arith.index_cast %parallel_loop3A_595 : i32 to index
        %parallel_loop3A_628 = arith.constant 16 : index
        %parallel_loop3A_629 = tpu.vector_load %arg8[%parallel_loop3A_626, %parallel_loop3A_627, %parallel_loop3A_628] {strides = array<i32>} : memref<4x200x64xf32, #tpu.memory_space<vmem>>, vector<1x1x16xf32>,
        %parallel_loop3A_630 = vector.shape_cast %parallel_loop3A_629 : vector<1x1x16xf32> to vector<16xf32>
        %parallel_loop3A_631 = vector.shape_cast %parallel_loop3A_624 : vector<16xf32> to vector<1x1x16xf32>
        tpu.vector_store %arg8[%parallel_loop3A_626, %parallel_loop3A_627, %parallel_loop3A_628], %parallel_loop3A_631 {strides = array<i32>} : memref<4x200x64xf32, #tpu.memory_space<vmem>>, vector<1x1x16xf32>,
        %parallel_loop3A_632 = arith.constant 2 : i32
        %parallel_loop3A_633 = arith.index_cast %parallel_loop3A_632 : i32 to index
        %parallel_loop3A_634 = arith.index_cast %parallel_loop3A_595 : i32 to index
        %parallel_loop3A_635 = arith.constant 32 : index
        %parallel_loop3A_636 = tpu.vector_load %arg8[%parallel_loop3A_633, %parallel_loop3A_634, %parallel_loop3A_635] {strides = array<i32>} : memref<4x200x64xf32, #tpu.memory_space<vmem>>, vector<1x1x16xf32>,
        %parallel_loop3A_637 = vector.shape_cast %parallel_loop3A_636 : vector<1x1x16xf32> to vector<16xf32>
        %parallel_loop3A_638 = arith.index_cast %parallel_loop3A_595 : i32 to index
        %parallel_loop3A_639 = arith.constant 32 : index
        %parallel_loop3A_640 = tpu.vector_load %arg7[%parallel_loop3A_638, %parallel_loop3A_639] {strides = array<i32>} : memref<200x64xf32, #tpu.memory_space<vmem>>, vector<1x16xf32>,
        %parallel_loop3A_641 = vector.shape_cast %parallel_loop3A_640 : vector<1x16xf32> to vector<16xf32>
        %parallel_loop3A_642 = arith.addf %parallel_loop3A_637, %parallel_loop3A_641 : vector<16xf32>
        %parallel_loop3A_643 = arith.constant 2 : i32
        %parallel_loop3A_644 = arith.index_cast %parallel_loop3A_643 : i32 to index
        %parallel_loop3A_645 = arith.index_cast %parallel_loop3A_595 : i32 to index
        %parallel_loop3A_646 = arith.constant 32 : index
        %parallel_loop3A_647 = tpu.vector_load %arg8[%parallel_loop3A_644, %parallel_loop3A_645, %parallel_loop3A_646] {strides = array<i32>} : memref<4x200x64xf32, #tpu.memory_space<vmem>>, vector<1x1x16xf32>,
        %parallel_loop3A_648 = vector.shape_cast %parallel_loop3A_647 : vector<1x1x16xf32> to vector<16xf32>
        %parallel_loop3A_649 = vector.shape_cast %parallel_loop3A_642 : vector<16xf32> to vector<1x1x16xf32>
        tpu.vector_store %arg8[%parallel_loop3A_644, %parallel_loop3A_645, %parallel_loop3A_646], %parallel_loop3A_649 {strides = array<i32>} : memref<4x200x64xf32, #tpu.memory_space<vmem>>, vector<1x1x16xf32>,
        %parallel_loop3A_650 = arith.constant 2 : i32
        %parallel_loop3A_651 = arith.index_cast %parallel_loop3A_650 : i32 to index
        %parallel_loop3A_652 = arith.index_cast %parallel_loop3A_595 : i32 to index
        %parallel_loop3A_653 = arith.constant 48 : index
        %parallel_loop3A_654 = tpu.vector_load %arg8[%parallel_loop3A_651, %parallel_loop3A_652, %parallel_loop3A_653] {strides = array<i32>} : memref<4x200x64xf32, #tpu.memory_space<vmem>>, vector<1x1x16xf32>,
        %parallel_loop3A_655 = vector.shape_cast %parallel_loop3A_654 : vector<1x1x16xf32> to vector<16xf32>
        %parallel_loop3A_656 = arith.index_cast %parallel_loop3A_595 : i32 to index
        %parallel_loop3A_657 = arith.constant 48 : index
        %parallel_loop3A_658 = tpu.vector_load %arg7[%parallel_loop3A_656, %parallel_loop3A_657] {strides = array<i32>} : memref<200x64xf32, #tpu.memory_space<vmem>>, vector<1x16xf32>,
        %parallel_loop3A_659 = vector.shape_cast %parallel_loop3A_658 : vector<1x16xf32> to vector<16xf32>
        %parallel_loop3A_660 = arith.addf %parallel_loop3A_655, %parallel_loop3A_659 : vector<16xf32>
        %parallel_loop3A_661 = arith.constant 2 : i32
        %parallel_loop3A_662 = arith.index_cast %parallel_loop3A_661 : i32 to index
        %parallel_loop3A_663 = arith.index_cast %parallel_loop3A_595 : i32 to index
        %parallel_loop3A_664 = arith.constant 48 : index
        %parallel_loop3A_665 = tpu.vector_load %arg8[%parallel_loop3A_662, %parallel_loop3A_663, %parallel_loop3A_664] {strides = array<i32>} : memref<4x200x64xf32, #tpu.memory_space<vmem>>, vector<1x1x16xf32>,
        %parallel_loop3A_666 = vector.shape_cast %parallel_loop3A_665 : vector<1x1x16xf32> to vector<16xf32>
        %parallel_loop3A_667 = vector.shape_cast %parallel_loop3A_660 : vector<16xf32> to vector<1x1x16xf32>
        tpu.vector_store %arg8[%parallel_loop3A_662, %parallel_loop3A_663, %parallel_loop3A_664], %parallel_loop3A_667 {strides = array<i32>} : memref<4x200x64xf32, #tpu.memory_space<vmem>>, vector<1x1x16xf32>,
      } {sc.loop_unroll_factor = 4 : i64, sc.parallel_access}
      %add3A_478 = arith.addi %mul3A_2, %add3A_400 : i32
      %dma_start3A_479 = arith.constant 2 : i32
      %dma_start3A_480 = arith.constant 0 : i32
      %dma_start3A_481 = arith.constant 0 : i32
      %dma_start3A_482 = tpu.memref_slice %arg8[%dma_start3A_479, %dma_start3A_480, %dma_start3A_481] : memref<4x200x64xf32, #tpu.memory_space<vmem>> -> memref<1x200x64xf32, #tpu.memory_space<vmem>>
      %dma_start3A_483 = tpu.memref_squeeze %dma_start3A_482 : memref<1x200x64xf32, #tpu.memory_space<vmem>> -> memref<200x64xf32, #tpu.memory_space<vmem>>
      %dma_start3A_484 = arith.constant 0 : i32
      %dma_start3A_485 = arith.constant 0 : i32
      %dma_start3A_486 = tpu.memref_slice %arg5[%add3A_478, %dma_start3A_484, %dma_start3A_485] : memref<4096x200x64xf32, #tpu.memory_space<hbm>> -> memref<1x200x64xf32, #tpu.memory_space<hbm>>
      %dma_start3A_487 = tpu.memref_squeeze %dma_start3A_486 : memref<1x200x64xf32, #tpu.memory_space<hbm>> -> memref<200x64xf32, #tpu.memory_space<hbm>>
      %dma_start3A_488 = arith.constant 0 : i32
      %dma_start3A_489 = arith.constant 0 : i32
      %dma_start3A_490 = tpu.memref_slice %arg5[%add3A_478, %dma_start3A_488, %dma_start3A_489] : memref<4096x200x64xf32, #tpu.memory_space<hbm>> -> memref<1x200x64xf32, #tpu.memory_space<hbm>>
      %dma_start3A_491 = tpu.memref_squeeze %dma_start3A_490 : memref<1x200x64xf32, #tpu.memory_space<hbm>> -> memref<200x64xf32, #tpu.memory_space<hbm>>
      %dma_start3A_492 = arith.constant 0 : i32
      %dma_start3A_493 = arith.constant 0 : i32
      %dma_start3A_494 = tpu.memref_slice %arg8[%dma_start3A_479, %dma_start3A_492, %dma_start3A_493] : memref<4x200x64xf32, #tpu.memory_space<vmem>> -> memref<1x200x64xf32, #tpu.memory_space<vmem>>
      %dma_start3A_495 = tpu.memref_squeeze %dma_start3A_494 : memref<1x200x64xf32, #tpu.memory_space<vmem>> -> memref<200x64xf32, #tpu.memory_space<vmem>>
      tpu.enqueue_dma source(%dma_start3A_495 : memref<200x64xf32, #tpu.memory_space<vmem>>) target(%dma_start3A_491 : memref<200x64xf32, #tpu.memory_space<hbm>>) target_semaphore(%arg15 : memref<!tpu.dma_semaphore, #tpu.memory_space<semaphore_mem>>)
      %mul3A_496 = arith.constant 4 : i32
      %mul3A_497 = arith.muli %scan3A_204, %mul3A_496 : i32
      %add3A_498 = arith.constant 3 : i32
      %add3A_499 = arith.addi %mul3A_497, %add3A_498 : i32
      %ge3A_500 = arith.constant 1 : i32
      %ge3A_501 = arith.cmpi sge, %add3A_499, %ge3A_500 : i32
      %convert_element_type3A_502 = arith.extui %ge3A_501 : i1 to i32
      %cond3A_503 = arith.constant 0 : i32
      %cond3A_504 = arith.cmpi ne, %convert_element_type3A_502, %cond3A_503 : i32
      scf.if %cond3A_504 {
        %dma_wait3A_595 = arith.constant 2 : i32
        %dma_wait3A_596 = arith.constant 0 : i32
        %dma_wait3A_597 = arith.constant 0 : i32
        %dma_wait3A_598 = arith.constant 0 : i32
        %dma_wait3A_599 = tpu.memref_slice %arg8[%dma_wait3A_595, %dma_wait3A_597, %dma_wait3A_598] : memref<4x200x64xf32, #tpu.memory_space<vmem>> -> memref<1x200x64xf32, #tpu.memory_space<vmem>>
        %dma_wait3A_600 = tpu.memref_squeeze %dma_wait3A_599 : memref<1x200x64xf32, #tpu.memory_space<vmem>> -> memref<200x64xf32, #tpu.memory_space<vmem>>
        %dma_wait3A_601 = arith.constant 0 : i32
        %dma_wait3A_602 = arith.constant 0 : i32
        %dma_wait3A_603 = tpu.memref_slice %arg5[%dma_wait3A_596, %dma_wait3A_601, %dma_wait3A_602] : memref<4096x200x64xf32, #tpu.memory_space<hbm>> -> memref<1x200x64xf32, #tpu.memory_space<hbm>>
        %dma_wait3A_604 = tpu.memref_squeeze %dma_wait3A_603 : memref<1x200x64xf32, #tpu.memory_space<hbm>> -> memref<200x64xf32, #tpu.memory_space<hbm>>
        %dma_wait3A_605 = arith.constant 0 : i32
        %dma_wait3A_606 = arith.constant 0 : i32
        %dma_wait3A_607 = tpu.memref_slice %arg5[%dma_wait3A_596, %dma_wait3A_605, %dma_wait3A_606] : memref<4096x200x64xf32, #tpu.memory_space<hbm>> -> memref<1x200x64xf32, #tpu.memory_space<hbm>>
        %dma_wait3A_608 = tpu.memref_squeeze %dma_wait3A_607 : memref<1x200x64xf32, #tpu.memory_space<hbm>> -> memref<200x64xf32, #tpu.memory_space<hbm>>
        %dma_wait3A_609 = arith.constant 0 : i32
        %dma_wait3A_610 = arith.constant 0 : i32
        %dma_wait3A_611 = tpu.memref_slice %arg8[%dma_wait3A_595, %dma_wait3A_609, %dma_wait3A_610] : memref<4x200x64xf32, #tpu.memory_space<vmem>> -> memref<1x200x64xf32, #tpu.memory_space<vmem>>
        %dma_wait3A_612 = tpu.memref_squeeze %dma_wait3A_611 : memref<1x200x64xf32, #tpu.memory_space<vmem>> -> memref<200x64xf32, #tpu.memory_space<vmem>>
        tpu.wait_dma2 semaphore(%arg15 : memref<!tpu.dma_semaphore, #tpu.memory_space<semaphore_mem>>) src(%dma_wait3A_612 : memref<200x64xf32, #tpu.memory_space<vmem>>) dst(%dma_wait3A_608 : memref<200x64xf32, #tpu.memory_space<hbm>>)
      } else {
      }
      %add3A_505 = arith.constant 4 : i32
      %add3A_506 = arith.addi %add3A_499, %add3A_505 : i32
      %sub3A_507 = arith.constant 1 : i32
      %sub3A_508 = arith.subi %add3A_506, %sub3A_507 : i32
      %lt3A_509 = arith.constant 128 : i32
      %lt3A_510 = arith.cmpi slt, %sub3A_508, %lt3A_509 : i32
      %convert_element_type3A_511 = arith.extui %lt3A_510 : i1 to i32
      %cond3A_512 = arith.constant 0 : i32
      %cond3A_513 = arith.cmpi ne, %convert_element_type3A_511, %cond3A_512 : i32
      scf.if %cond3A_513 {
        %add3A_595 = arith.constant 4 : i32
        %add3A_596 = arith.addi %add3A_499, %add3A_595 : i32
        %sub3A_597 = arith.constant 1 : i32
        %sub3A_598 = arith.subi %add3A_596, %sub3A_597 : i32
        %dma_start3A_599 = arith.constant 2 : i32
        %dma_start3A_600 = arith.constant 0 : i32
        %dma_start3A_601 = arith.constant 0 : i32
        %dma_start3A_602 = tpu.memref_slice %arg8[%dma_start3A_599, %dma_start3A_600, %dma_start3A_601] : memref<4x200x64xf32, #tpu.memory_space<vmem>> -> memref<1x40x64xf32, #tpu.memory_space<vmem>>
        %dma_start3A_603 = tpu.memref_squeeze %dma_start3A_602 : memref<1x40x64xf32, #tpu.memory_space<vmem>> -> memref<40x64xf32, #tpu.memory_space<vmem>>
        %dma_start3A_604 = arith.constant 0 : i32
        %dma_start3A_605 = tpu.memref_slice %arg6[%sub3A_598, %dma_start3A_604] : memref<128x200xi32, #tpu.memory_space<vmem>> -> memref<1x40xi32, #tpu.memory_space<vmem>>
        %dma_start3A_606 = tpu.memref_squeeze %dma_start3A_605 : memref<1x40xi32, #tpu.memory_space<vmem>> -> memref<40xi32, #tpu.memory_space<vmem>>
        %dma_start3A_607 = arith.constant 0 : i32
        %dma_start3A_608 = arith.constant 0 : i32
        %dma_start3A_609 = tpu.memref_slice %arg2[%dma_start3A_607, %dma_start3A_608] : memref<1000000x64xf32, #tpu.memory_space<hbm>> -> memref<1000000x64xf32, #tpu.memory_space<hbm>>
        tpu.enqueue_indirect_dma source(%dma_start3A_609 : memref<1000000x64xf32, #tpu.memory_space<hbm>>) target(%dma_start3A_603 : memref<40x64xf32, #tpu.memory_space<vmem>>) offsets(%dma_start3A_606 : memref<40xi32, #tpu.memory_space<vmem>>) semaphore(%arg11 : memref<!tpu.dma_semaphore, #tpu.memory_space<semaphore_mem>>)
        %dma_start3A_610 = arith.constant 2 : i32
        %dma_start3A_611 = arith.constant 40 : i32
        %dma_start3A_612 = arith.constant 0 : i32
        %dma_start3A_613 = tpu.memref_slice %arg8[%dma_start3A_610, %dma_start3A_611, %dma_start3A_612] : memref<4x200x64xf32, #tpu.memory_space<vmem>> -> memref<1x40x64xf32, #tpu.memory_space<vmem>>
        %dma_start3A_614 = tpu.memref_squeeze %dma_start3A_613 : memref<1x40x64xf32, #tpu.memory_space<vmem>> -> memref<40x64xf32, #tpu.memory_space<vmem>>
        %dma_start3A_615 = arith.constant 40 : i32
        %dma_start3A_616 = tpu.memref_slice %arg6[%sub3A_598, %dma_start3A_615] : memref<128x200xi32, #tpu.memory_space<vmem>> -> memref<1x40xi32, #tpu.memory_space<vmem>>
        %dma_start3A_617 = tpu.memref_squeeze %dma_start3A_616 : memref<1x40xi32, #tpu.memory_space<vmem>> -> memref<40xi32, #tpu.memory_space<vmem>>
        %dma_start3A_618 = arith.constant 0 : i32
        %dma_start3A_619 = arith.constant 0 : i32
        %dma_start3A_620 = tpu.memref_slice %arg2[%dma_start3A_618, %dma_start3A_619] : memref<1000000x64xf32, #tpu.memory_space<hbm>> -> memref<1000000x64xf32, #tpu.memory_space<hbm>>
        tpu.enqueue_indirect_dma source(%dma_start3A_620 : memref<1000000x64xf32, #tpu.memory_space<hbm>>) target(%dma_start3A_614 : memref<40x64xf32, #tpu.memory_space<vmem>>) offsets(%dma_start3A_617 : memref<40xi32, #tpu.memory_space<vmem>>) semaphore(%arg11 : memref<!tpu.dma_semaphore, #tpu.memory_space<semaphore_mem>>)
        %dma_start3A_621 = arith.constant 2 : i32
        %dma_start3A_622 = arith.constant 80 : i32
        %dma_start3A_623 = arith.constant 0 : i32
        %dma_start3A_624 = tpu.memref_slice %arg8[%dma_start3A_621, %dma_start3A_622, %dma_start3A_623] : memref<4x200x64xf32, #tpu.memory_space<vmem>> -> memref<1x40x64xf32, #tpu.memory_space<vmem>>
        %dma_start3A_625 = tpu.memref_squeeze %dma_start3A_624 : memref<1x40x64xf32, #tpu.memory_space<vmem>> -> memref<40x64xf32, #tpu.memory_space<vmem>>
        %dma_start3A_626 = arith.constant 80 : i32
        %dma_start3A_627 = tpu.memref_slice %arg6[%sub3A_598, %dma_start3A_626] : memref<128x200xi32, #tpu.memory_space<vmem>> -> memref<1x40xi32, #tpu.memory_space<vmem>>
        %dma_start3A_628 = tpu.memref_squeeze %dma_start3A_627 : memref<1x40xi32, #tpu.memory_space<vmem>> -> memref<40xi32, #tpu.memory_space<vmem>>
        %dma_start3A_629 = arith.constant 0 : i32
        %dma_start3A_630 = arith.constant 0 : i32
        %dma_start3A_631 = tpu.memref_slice %arg2[%dma_start3A_629, %dma_start3A_630] : memref<1000000x64xf32, #tpu.memory_space<hbm>> -> memref<1000000x64xf32, #tpu.memory_space<hbm>>
        tpu.enqueue_indirect_dma source(%dma_start3A_631 : memref<1000000x64xf32, #tpu.memory_space<hbm>>) target(%dma_start3A_625 : memref<40x64xf32, #tpu.memory_space<vmem>>) offsets(%dma_start3A_628 : memref<40xi32, #tpu.memory_space<vmem>>) semaphore(%arg11 : memref<!tpu.dma_semaphore, #tpu.memory_space<semaphore_mem>>)
        %dma_start3A_632 = arith.constant 2 : i32
        %dma_start3A_633 = arith.constant 120 : i32
        %dma_start3A_634 = arith.constant 0 : i32
        %dma_start3A_635 = tpu.memref_slice %arg8[%dma_start3A_632, %dma_start3A_633, %dma_start3A_634] : memref<4x200x64xf32, #tpu.memory_space<vmem>> -> memref<1x40x64xf32, #tpu.memory_space<vmem>>
        %dma_start3A_636 = tpu.memref_squeeze %dma_start3A_635 : memref<1x40x64xf32, #tpu.memory_space<vmem>> -> memref<40x64xf32, #tpu.memory_space<vmem>>
        %dma_start3A_637 = arith.constant 120 : i32
        %dma_start3A_638 = tpu.memref_slice %arg6[%sub3A_598, %dma_start3A_637] : memref<128x200xi32, #tpu.memory_space<vmem>> -> memref<1x40xi32, #tpu.memory_space<vmem>>
        %dma_start3A_639 = tpu.memref_squeeze %dma_start3A_638 : memref<1x40xi32, #tpu.memory_space<vmem>> -> memref<40xi32, #tpu.memory_space<vmem>>
        %dma_start3A_640 = arith.constant 0 : i32
        %dma_start3A_641 = arith.constant 0 : i32
        %dma_start3A_642 = tpu.memref_slice %arg2[%dma_start3A_640, %dma_start3A_641] : memref<1000000x64xf32, #tpu.memory_space<hbm>> -> memref<1000000x64xf32, #tpu.memory_space<hbm>>
        tpu.enqueue_indirect_dma source(%dma_start3A_642 : memref<1000000x64xf32, #tpu.memory_space<hbm>>) target(%dma_start3A_636 : memref<40x64xf32, #tpu.memory_space<vmem>>) offsets(%dma_start3A_639 : memref<40xi32, #tpu.memory_space<vmem>>) semaphore(%arg11 : memref<!tpu.dma_semaphore, #tpu.memory_space<semaphore_mem>>)
        %dma_start3A_643 = arith.constant 2 : i32
        %dma_start3A_644 = arith.constant 160 : i32
        %dma_start3A_645 = arith.constant 0 : i32
        %dma_start3A_646 = tpu.memref_slice %arg8[%dma_start3A_643, %dma_start3A_644, %dma_start3A_645] : memref<4x200x64xf32, #tpu.memory_space<vmem>> -> memref<1x40x64xf32, #tpu.memory_space<vmem>>
        %dma_start3A_647 = tpu.memref_squeeze %dma_start3A_646 : memref<1x40x64xf32, #tpu.memory_space<vmem>> -> memref<40x64xf32, #tpu.memory_space<vmem>>
        %dma_start3A_648 = arith.constant 160 : i32
        %dma_start3A_649 = tpu.memref_slice %arg6[%sub3A_598, %dma_start3A_648] : memref<128x200xi32, #tpu.memory_space<vmem>> -> memref<1x40xi32, #tpu.memory_space<vmem>>
        %dma_start3A_650 = tpu.memref_squeeze %dma_start3A_649 : memref<1x40xi32, #tpu.memory_space<vmem>> -> memref<40xi32, #tpu.memory_space<vmem>>
        %dma_start3A_651 = arith.constant 0 : i32
        %dma_start3A_652 = arith.constant 0 : i32
        %dma_start3A_653 = tpu.memref_slice %arg2[%dma_start3A_651, %dma_start3A_652] : memref<1000000x64xf32, #tpu.memory_space<hbm>> -> memref<1000000x64xf32, #tpu.memory_space<hbm>>
        tpu.enqueue_indirect_dma source(%dma_start3A_653 : memref<1000000x64xf32, #tpu.memory_space<hbm>>) target(%dma_start3A_647 : memref<40x64xf32, #tpu.memory_space<vmem>>) offsets(%dma_start3A_650 : memref<40xi32, #tpu.memory_space<vmem>>) semaphore(%arg11 : memref<!tpu.dma_semaphore, #tpu.memory_space<semaphore_mem>>)
      } else {
      }
      %dma_wait3A_514 = arith.constant 0 : i32
      %dma_wait3A_515 = arith.constant 3 : i32
      %dma_wait3A_516 = arith.constant 0 : i32
      %dma_wait3A_517 = arith.constant 0 : i32
      %dma_wait3A_518 = tpu.memref_slice %arg8[%dma_wait3A_515, %dma_wait3A_516, %dma_wait3A_517] : memref<4x200x64xf32, #tpu.memory_space<vmem>> -> memref<1x40x64xf32, #tpu.memory_space<vmem>>
      %dma_wait3A_519 = tpu.memref_squeeze %dma_wait3A_518 : memref<1x40x64xf32, #tpu.memory_space<vmem>> -> memref<40x64xf32, #tpu.memory_space<vmem>>
      %dma_wait3A_520 = arith.constant 0 : i32
      %dma_wait3A_521 = tpu.memref_slice %arg6[%dma_wait3A_514, %dma_wait3A_520] : memref<128x200xi32, #tpu.memory_space<vmem>> -> memref<1x40xi32, #tpu.memory_space<vmem>>
      %dma_wait3A_522 = tpu.memref_squeeze %dma_wait3A_521 : memref<1x40xi32, #tpu.memory_space<vmem>> -> memref<40xi32, #tpu.memory_space<vmem>>
      %dma_wait3A_523 = arith.constant 0 : i32
      %dma_wait3A_524 = arith.constant 0 : i32
      %dma_wait3A_525 = tpu.memref_slice %arg2[%dma_wait3A_523, %dma_wait3A_524] : memref<1000000x64xf32, #tpu.memory_space<hbm>> -> memref<1000000x64xf32, #tpu.memory_space<hbm>>
      tpu.wait_indirect_dma semaphore(%arg12 : memref<!tpu.dma_semaphore, #tpu.memory_space<semaphore_mem>>) src(%dma_wait3A_525 : memref<1000000x64xf32, #tpu.memory_space<hbm>>) dst(%dma_wait3A_519 : memref<40x64xf32, #tpu.memory_space<vmem>>)
      %dma_wait3A_526 = arith.constant 0 : i32
      %dma_wait3A_527 = arith.constant 3 : i32
      %dma_wait3A_528 = arith.constant 40 : i32
      %dma_wait3A_529 = arith.constant 0 : i32
      %dma_wait3A_530 = tpu.memref_slice %arg8[%dma_wait3A_527, %dma_wait3A_528, %dma_wait3A_529] : memref<4x200x64xf32, #tpu.memory_space<vmem>> -> memref<1x40x64xf32, #tpu.memory_space<vmem>>
      %dma_wait3A_531 = tpu.memref_squeeze %dma_wait3A_530 : memref<1x40x64xf32, #tpu.memory_space<vmem>> -> memref<40x64xf32, #tpu.memory_space<vmem>>
      %dma_wait3A_532 = arith.constant 0 : i32
      %dma_wait3A_533 = tpu.memref_slice %arg6[%dma_wait3A_526, %dma_wait3A_532] : memref<128x200xi32, #tpu.memory_space<vmem>> -> memref<1x40xi32, #tpu.memory_space<vmem>>
      %dma_wait3A_534 = tpu.memref_squeeze %dma_wait3A_533 : memref<1x40xi32, #tpu.memory_space<vmem>> -> memref<40xi32, #tpu.memory_space<vmem>>
      %dma_wait3A_535 = arith.constant 0 : i32
      %dma_wait3A_536 = arith.constant 0 : i32
      %dma_wait3A_537 = tpu.memref_slice %arg2[%dma_wait3A_535, %dma_wait3A_536] : memref<1000000x64xf32, #tpu.memory_space<hbm>> -> memref<1000000x64xf32, #tpu.memory_space<hbm>>
      tpu.wait_indirect_dma semaphore(%arg12 : memref<!tpu.dma_semaphore, #tpu.memory_space<semaphore_mem>>) src(%dma_wait3A_537 : memref<1000000x64xf32, #tpu.memory_space<hbm>>) dst(%dma_wait3A_531 : memref<40x64xf32, #tpu.memory_space<vmem>>)
      %dma_wait3A_538 = arith.constant 0 : i32
      %dma_wait3A_539 = arith.constant 3 : i32
      %dma_wait3A_540 = arith.constant 80 : i32
      %dma_wait3A_541 = arith.constant 0 : i32
      %dma_wait3A_542 = tpu.memref_slice %arg8[%dma_wait3A_539, %dma_wait3A_540, %dma_wait3A_541] : memref<4x200x64xf32, #tpu.memory_space<vmem>> -> memref<1x40x64xf32, #tpu.memory_space<vmem>>
      %dma_wait3A_543 = tpu.memref_squeeze %dma_wait3A_542 : memref<1x40x64xf32, #tpu.memory_space<vmem>> -> memref<40x64xf32, #tpu.memory_space<vmem>>
      %dma_wait3A_544 = arith.constant 0 : i32
      %dma_wait3A_545 = tpu.memref_slice %arg6[%dma_wait3A_538, %dma_wait3A_544] : memref<128x200xi32, #tpu.memory_space<vmem>> -> memref<1x40xi32, #tpu.memory_space<vmem>>
      %dma_wait3A_546 = tpu.memref_squeeze %dma_wait3A_545 : memref<1x40xi32, #tpu.memory_space<vmem>> -> memref<40xi32, #tpu.memory_space<vmem>>
      %dma_wait3A_547 = arith.constant 0 : i32
      %dma_wait3A_548 = arith.constant 0 : i32
      %dma_wait3A_549 = tpu.memref_slice %arg2[%dma_wait3A_547, %dma_wait3A_548] : memref<1000000x64xf32, #tpu.memory_space<hbm>> -> memref<1000000x64xf32, #tpu.memory_space<hbm>>
      tpu.wait_indirect_dma semaphore(%arg12 : memref<!tpu.dma_semaphore, #tpu.memory_space<semaphore_mem>>) src(%dma_wait3A_549 : memref<1000000x64xf32, #tpu.memory_space<hbm>>) dst(%dma_wait3A_543 : memref<40x64xf32, #tpu.memory_space<vmem>>)
      %dma_wait3A_550 = arith.constant 0 : i32
      %dma_wait3A_551 = arith.constant 3 : i32
      %dma_wait3A_552 = arith.constant 120 : i32
      %dma_wait3A_553 = arith.constant 0 : i32
      %dma_wait3A_554 = tpu.memref_slice %arg8[%dma_wait3A_551, %dma_wait3A_552, %dma_wait3A_553] : memref<4x200x64xf32, #tpu.memory_space<vmem>> -> memref<1x40x64xf32, #tpu.memory_space<vmem>>
      %dma_wait3A_555 = tpu.memref_squeeze %dma_wait3A_554 : memref<1x40x64xf32, #tpu.memory_space<vmem>> -> memref<40x64xf32, #tpu.memory_space<vmem>>
      %dma_wait3A_556 = arith.constant 0 : i32
      %dma_wait3A_557 = tpu.memref_slice %arg6[%dma_wait3A_550, %dma_wait3A_556] : memref<128x200xi32, #tpu.memory_space<vmem>> -> memref<1x40xi32, #tpu.memory_space<vmem>>
      %dma_wait3A_558 = tpu.memref_squeeze %dma_wait3A_557 : memref<1x40xi32, #tpu.memory_space<vmem>> -> memref<40xi32, #tpu.memory_space<vmem>>
      %dma_wait3A_559 = arith.constant 0 : i32
      %dma_wait3A_560 = arith.constant 0 : i32
      %dma_wait3A_561 = tpu.memref_slice %arg2[%dma_wait3A_559, %dma_wait3A_560] : memref<1000000x64xf32, #tpu.memory_space<hbm>> -> memref<1000000x64xf32, #tpu.memory_space<hbm>>
      tpu.wait_indirect_dma semaphore(%arg12 : memref<!tpu.dma_semaphore, #tpu.memory_space<semaphore_mem>>) src(%dma_wait3A_561 : memref<1000000x64xf32, #tpu.memory_space<hbm>>) dst(%dma_wait3A_555 : memref<40x64xf32, #tpu.memory_space<vmem>>)
      %dma_wait3A_562 = arith.constant 0 : i32
      %dma_wait3A_563 = arith.constant 3 : i32
      %dma_wait3A_564 = arith.constant 160 : i32
      %dma_wait3A_565 = arith.constant 0 : i32
      %dma_wait3A_566 = tpu.memref_slice %arg8[%dma_wait3A_563, %dma_wait3A_564, %dma_wait3A_565] : memref<4x200x64xf32, #tpu.memory_space<vmem>> -> memref<1x40x64xf32, #tpu.memory_space<vmem>>
      %dma_wait3A_567 = tpu.memref_squeeze %dma_wait3A_566 : memref<1x40x64xf32, #tpu.memory_space<vmem>> -> memref<40x64xf32, #tpu.memory_space<vmem>>
      %dma_wait3A_568 = arith.constant 0 : i32
      %dma_wait3A_569 = tpu.memref_slice %arg6[%dma_wait3A_562, %dma_wait3A_568] : memref<128x200xi32, #tpu.memory_space<vmem>> -> memref<1x40xi32, #tpu.memory_space<vmem>>
      %dma_wait3A_570 = tpu.memref_squeeze %dma_wait3A_569 : memref<1x40xi32, #tpu.memory_space<vmem>> -> memref<40xi32, #tpu.memory_space<vmem>>
      %dma_wait3A_571 = arith.constant 0 : i32
      %dma_wait3A_572 = arith.constant 0 : i32
      %dma_wait3A_573 = tpu.memref_slice %arg2[%dma_wait3A_571, %dma_wait3A_572] : memref<1000000x64xf32, #tpu.memory_space<hbm>> -> memref<1000000x64xf32, #tpu.memory_space<hbm>>
      tpu.wait_indirect_dma semaphore(%arg12 : memref<!tpu.dma_semaphore, #tpu.memory_space<semaphore_mem>>) src(%dma_wait3A_573 : memref<1000000x64xf32, #tpu.memory_space<hbm>>) dst(%dma_wait3A_567 : memref<40x64xf32, #tpu.memory_space<vmem>>)
      %parallel_loop3A_574 = arith.constant 0 : i32
      %parallel_loop3A_575 = arith.constant 200 : i32
      %parallel_loop3A_576 = arith.constant 1 : i32
      scf.for %parallel_loop3A_595 = %parallel_loop3A_574 to %parallel_loop3A_575 step %parallel_loop3A_576  : i32 {
        %parallel_loop3A_596 = arith.constant 3 : i32
        %parallel_loop3A_597 = arith.index_cast %parallel_loop3A_596 : i32 to index
        %parallel_loop3A_598 = arith.index_cast %parallel_loop3A_595 : i32 to index
        %parallel_loop3A_599 = arith.constant 0 : index
        %parallel_loop3A_600 = tpu.vector_load %arg8[%parallel_loop3A_597, %parallel_loop3A_598, %parallel_loop3A_599] {strides = array<i32>} : memref<4x200x64xf32, #tpu.memory_space<vmem>>, vector<1x1x16xf32>,
        %parallel_loop3A_601 = vector.shape_cast %parallel_loop3A_600 : vector<1x1x16xf32> to vector<16xf32>
        %parallel_loop3A_602 = arith.index_cast %parallel_loop3A_595 : i32 to index
        %parallel_loop3A_603 = arith.constant 0 : index
        %parallel_loop3A_604 = tpu.vector_load %arg7[%parallel_loop3A_602, %parallel_loop3A_603] {strides = array<i32>} : memref<200x64xf32, #tpu.memory_space<vmem>>, vector<1x16xf32>,
        %parallel_loop3A_605 = vector.shape_cast %parallel_loop3A_604 : vector<1x16xf32> to vector<16xf32>
        %parallel_loop3A_606 = arith.addf %parallel_loop3A_601, %parallel_loop3A_605 : vector<16xf32>
        %parallel_loop3A_607 = arith.constant 3 : i32
        %parallel_loop3A_608 = arith.index_cast %parallel_loop3A_607 : i32 to index
        %parallel_loop3A_609 = arith.index_cast %parallel_loop3A_595 : i32 to index
        %parallel_loop3A_610 = arith.constant 0 : index
        %parallel_loop3A_611 = tpu.vector_load %arg8[%parallel_loop3A_608, %parallel_loop3A_609, %parallel_loop3A_610] {strides = array<i32>} : memref<4x200x64xf32, #tpu.memory_space<vmem>>, vector<1x1x16xf32>,
        %parallel_loop3A_612 = vector.shape_cast %parallel_loop3A_611 : vector<1x1x16xf32> to vector<16xf32>
        %parallel_loop3A_613 = vector.shape_cast %parallel_loop3A_606 : vector<16xf32> to vector<1x1x16xf32>
        tpu.vector_store %arg8[%parallel_loop3A_608, %parallel_loop3A_609, %parallel_loop3A_610], %parallel_loop3A_613 {strides = array<i32>} : memref<4x200x64xf32, #tpu.memory_space<vmem>>, vector<1x1x16xf32>,
        %parallel_loop3A_614 = arith.constant 3 : i32
        %parallel_loop3A_615 = arith.index_cast %parallel_loop3A_614 : i32 to index
        %parallel_loop3A_616 = arith.index_cast %parallel_loop3A_595 : i32 to index
        %parallel_loop3A_617 = arith.constant 16 : index
        %parallel_loop3A_618 = tpu.vector_load %arg8[%parallel_loop3A_615, %parallel_loop3A_616, %parallel_loop3A_617] {strides = array<i32>} : memref<4x200x64xf32, #tpu.memory_space<vmem>>, vector<1x1x16xf32>,
        %parallel_loop3A_619 = vector.shape_cast %parallel_loop3A_618 : vector<1x1x16xf32> to vector<16xf32>
        %parallel_loop3A_620 = arith.index_cast %parallel_loop3A_595 : i32 to index
        %parallel_loop3A_621 = arith.constant 16 : index
        %parallel_loop3A_622 = tpu.vector_load %arg7[%parallel_loop3A_620, %parallel_loop3A_621] {strides = array<i32>} : memref<200x64xf32, #tpu.memory_space<vmem>>, vector<1x16xf32>,
        %parallel_loop3A_623 = vector.shape_cast %parallel_loop3A_622 : vector<1x16xf32> to vector<16xf32>
        %parallel_loop3A_624 = arith.addf %parallel_loop3A_619, %parallel_loop3A_623 : vector<16xf32>
        %parallel_loop3A_625 = arith.constant 3 : i32
        %parallel_loop3A_626 = arith.index_cast %parallel_loop3A_625 : i32 to index
        %parallel_loop3A_627 = arith.index_cast %parallel_loop3A_595 : i32 to index
        %parallel_loop3A_628 = arith.constant 16 : index
        %parallel_loop3A_629 = tpu.vector_load %arg8[%parallel_loop3A_626, %parallel_loop3A_627, %parallel_loop3A_628] {strides = array<i32>} : memref<4x200x64xf32, #tpu.memory_space<vmem>>, vector<1x1x16xf32>,
        %parallel_loop3A_630 = vector.shape_cast %parallel_loop3A_629 : vector<1x1x16xf32> to vector<16xf32>
        %parallel_loop3A_631 = vector.shape_cast %parallel_loop3A_624 : vector<16xf32> to vector<1x1x16xf32>
        tpu.vector_store %arg8[%parallel_loop3A_626, %parallel_loop3A_627, %parallel_loop3A_628], %parallel_loop3A_631 {strides = array<i32>} : memref<4x200x64xf32, #tpu.memory_space<vmem>>, vector<1x1x16xf32>,
        %parallel_loop3A_632 = arith.constant 3 : i32
        %parallel_loop3A_633 = arith.index_cast %parallel_loop3A_632 : i32 to index
        %parallel_loop3A_634 = arith.index_cast %parallel_loop3A_595 : i32 to index
        %parallel_loop3A_635 = arith.constant 32 : index
        %parallel_loop3A_636 = tpu.vector_load %arg8[%parallel_loop3A_633, %parallel_loop3A_634, %parallel_loop3A_635] {strides = array<i32>} : memref<4x200x64xf32, #tpu.memory_space<vmem>>, vector<1x1x16xf32>,
        %parallel_loop3A_637 = vector.shape_cast %parallel_loop3A_636 : vector<1x1x16xf32> to vector<16xf32>
        %parallel_loop3A_638 = arith.index_cast %parallel_loop3A_595 : i32 to index
        %parallel_loop3A_639 = arith.constant 32 : index
        %parallel_loop3A_640 = tpu.vector_load %arg7[%parallel_loop3A_638, %parallel_loop3A_639] {strides = array<i32>} : memref<200x64xf32, #tpu.memory_space<vmem>>, vector<1x16xf32>,
        %parallel_loop3A_641 = vector.shape_cast %parallel_loop3A_640 : vector<1x16xf32> to vector<16xf32>
        %parallel_loop3A_642 = arith.addf %parallel_loop3A_637, %parallel_loop3A_641 : vector<16xf32>
        %parallel_loop3A_643 = arith.constant 3 : i32
        %parallel_loop3A_644 = arith.index_cast %parallel_loop3A_643 : i32 to index
        %parallel_loop3A_645 = arith.index_cast %parallel_loop3A_595 : i32 to index
        %parallel_loop3A_646 = arith.constant 32 : index
        %parallel_loop3A_647 = tpu.vector_load %arg8[%parallel_loop3A_644, %parallel_loop3A_645, %parallel_loop3A_646] {strides = array<i32>} : memref<4x200x64xf32, #tpu.memory_space<vmem>>, vector<1x1x16xf32>,
        %parallel_loop3A_648 = vector.shape_cast %parallel_loop3A_647 : vector<1x1x16xf32> to vector<16xf32>
        %parallel_loop3A_649 = vector.shape_cast %parallel_loop3A_642 : vector<16xf32> to vector<1x1x16xf32>
        tpu.vector_store %arg8[%parallel_loop3A_644, %parallel_loop3A_645, %parallel_loop3A_646], %parallel_loop3A_649 {strides = array<i32>} : memref<4x200x64xf32, #tpu.memory_space<vmem>>, vector<1x1x16xf32>,
        %parallel_loop3A_650 = arith.constant 3 : i32
        %parallel_loop3A_651 = arith.index_cast %parallel_loop3A_650 : i32 to index
        %parallel_loop3A_652 = arith.index_cast %parallel_loop3A_595 : i32 to index
        %parallel_loop3A_653 = arith.constant 48 : index
        %parallel_loop3A_654 = tpu.vector_load %arg8[%parallel_loop3A_651, %parallel_loop3A_652, %parallel_loop3A_653] {strides = array<i32>} : memref<4x200x64xf32, #tpu.memory_space<vmem>>, vector<1x1x16xf32>,
        %parallel_loop3A_655 = vector.shape_cast %parallel_loop3A_654 : vector<1x1x16xf32> to vector<16xf32>
        %parallel_loop3A_656 = arith.index_cast %parallel_loop3A_595 : i32 to index
        %parallel_loop3A_657 = arith.constant 48 : index
        %parallel_loop3A_658 = tpu.vector_load %arg7[%parallel_loop3A_656, %parallel_loop3A_657] {strides = array<i32>} : memref<200x64xf32, #tpu.memory_space<vmem>>, vector<1x16xf32>,
        %parallel_loop3A_659 = vector.shape_cast %parallel_loop3A_658 : vector<1x16xf32> to vector<16xf32>
        %parallel_loop3A_660 = arith.addf %parallel_loop3A_655, %parallel_loop3A_659 : vector<16xf32>
        %parallel_loop3A_661 = arith.constant 3 : i32
        %parallel_loop3A_662 = arith.index_cast %parallel_loop3A_661 : i32 to index
        %parallel_loop3A_663 = arith.index_cast %parallel_loop3A_595 : i32 to index
        %parallel_loop3A_664 = arith.constant 48 : index
        %parallel_loop3A_665 = tpu.vector_load %arg8[%parallel_loop3A_662, %parallel_loop3A_663, %parallel_loop3A_664] {strides = array<i32>} : memref<4x200x64xf32, #tpu.memory_space<vmem>>, vector<1x1x16xf32>,
        %parallel_loop3A_666 = vector.shape_cast %parallel_loop3A_665 : vector<1x1x16xf32> to vector<16xf32>
        %parallel_loop3A_667 = vector.shape_cast %parallel_loop3A_660 : vector<16xf32> to vector<1x1x16xf32>
        tpu.vector_store %arg8[%parallel_loop3A_662, %parallel_loop3A_663, %parallel_loop3A_664], %parallel_loop3A_667 {strides = array<i32>} : memref<4x200x64xf32, #tpu.memory_space<vmem>>, vector<1x1x16xf32>,
      } {sc.loop_unroll_factor = 4 : i64, sc.parallel_access}
      %add3A_577 = arith.addi %mul3A_2, %add3A_499 : i32
      %dma_start3A_578 = arith.constant 3 : i32
      %dma_start3A_579 = arith.constant 0 : i32
      %dma_start3A_580 = arith.constant 0 : i32
      %dma_start3A_581 = tpu.memref_slice %arg8[%dma_start3A_578, %dma_start3A_579, %dma_start3A_580] : memref<4x200x64xf32, #tpu.memory_space<vmem>> -> memref<1x200x64xf32, #tpu.memory_space<vmem>>
      %dma_start3A_582 = tpu.memref_squeeze %dma_start3A_581 : memref<1x200x64xf32, #tpu.memory_space<vmem>> -> memref<200x64xf32, #tpu.memory_space<vmem>>
      %dma_start3A_583 = arith.constant 0 : i32
      %dma_start3A_584 = arith.constant 0 : i32
      %dma_start3A_585 = tpu.memref_slice %arg5[%add3A_577, %dma_start3A_583, %dma_start3A_584] : memref<4096x200x64xf32, #tpu.memory_space<hbm>> -> memref<1x200x64xf32, #tpu.memory_space<hbm>>
      %dma_start3A_586 = tpu.memref_squeeze %dma_start3A_585 : memref<1x200x64xf32, #tpu.memory_space<hbm>> -> memref<200x64xf32, #tpu.memory_space<hbm>>
      %dma_start3A_587 = arith.constant 0 : i32
      %dma_start3A_588 = arith.constant 0 : i32
      %dma_start3A_589 = tpu.memref_slice %arg5[%add3A_577, %dma_start3A_587, %dma_start3A_588] : memref<4096x200x64xf32, #tpu.memory_space<hbm>> -> memref<1x200x64xf32, #tpu.memory_space<hbm>>
      %dma_start3A_590 = tpu.memref_squeeze %dma_start3A_589 : memref<1x200x64xf32, #tpu.memory_space<hbm>> -> memref<200x64xf32, #tpu.memory_space<hbm>>
      %dma_start3A_591 = arith.constant 0 : i32
      %dma_start3A_592 = arith.constant 0 : i32
      %dma_start3A_593 = tpu.memref_slice %arg8[%dma_start3A_578, %dma_start3A_591, %dma_start3A_592] : memref<4x200x64xf32, #tpu.memory_space<vmem>> -> memref<1x200x64xf32, #tpu.memory_space<vmem>>
      %dma_start3A_594 = tpu.memref_squeeze %dma_start3A_593 : memref<1x200x64xf32, #tpu.memory_space<vmem>> -> memref<200x64xf32, #tpu.memory_space<vmem>>
      tpu.enqueue_dma source(%dma_start3A_594 : memref<200x64xf32, #tpu.memory_space<vmem>>) target(%dma_start3A_590 : memref<200x64xf32, #tpu.memory_space<hbm>>) target_semaphore(%arg16 : memref<!tpu.dma_semaphore, #tpu.memory_space<semaphore_mem>>)
    }
    %scan3A_186 = arith.constant 32 : i32
    %dma_wait3A = arith.constant 3 : i32
    %dma_wait3A_187 = arith.constant 0 : i32
    %dma_wait3A_188 = arith.constant 0 : i32
    %dma_wait3A_189 = arith.constant 0 : i32
    %dma_wait3A_190 = tpu.memref_slice %arg8[%dma_wait3A, %dma_wait3A_188, %dma_wait3A_189] : memref<4x200x64xf32, #tpu.memory_space<vmem>> -> memref<1x200x64xf32, #tpu.memory_space<vmem>>
    %dma_wait3A_191 = tpu.memref_squeeze %dma_wait3A_190 : memref<1x200x64xf32, #tpu.memory_space<vmem>> -> memref<200x64xf32, #tpu.memory_space<vmem>>
    %dma_wait3A_192 = arith.constant 0 : i32
    %dma_wait3A_193 = arith.constant 0 : i32
    %dma_wait3A_194 = tpu.memref_slice %arg5[%dma_wait3A_187, %dma_wait3A_192, %dma_wait3A_193] : memref<4096x200x64xf32, #tpu.memory_space<hbm>> -> memref<1x200x64xf32, #tpu.memory_space<hbm>>
    %dma_wait3A_195 = tpu.memref_squeeze %dma_wait3A_194 : memref<1x200x64xf32, #tpu.memory_space<hbm>> -> memref<200x64xf32, #tpu.memory_space<hbm>>
    %dma_wait3A_196 = arith.constant 0 : i32
    %dma_wait3A_197 = arith.constant 0 : i32
    %dma_wait3A_198 = tpu.memref_slice %arg5[%dma_wait3A_187, %dma_wait3A_196, %dma_wait3A_197] : memref<4096x200x64xf32, #tpu.memory_space<hbm>> -> memref<1x200x64xf32, #tpu.memory_space<hbm>>
    %dma_wait3A_199 = tpu.memref_squeeze %dma_wait3A_198 : memref<1x200x64xf32, #tpu.memory_space<hbm>> -> memref<200x64xf32, #tpu.memory_space<hbm>>
    %dma_wait3A_200 = arith.constant 0 : i32
    %dma_wait3A_201 = arith.constant 0 : i32
    %dma_wait3A_202 = tpu.memref_slice %arg8[%dma_wait3A, %dma_wait3A_200, %dma_wait3A_201] : memref<4x200x64xf32, #tpu.memory_space<vmem>> -> memref<1x200x64xf32, #tpu.memory_space<vmem>>
    %dma_wait3A_203 = tpu.memref_squeeze %dma_wait3A_202 : memref<1x200x64xf32, #tpu.memory_space<vmem>> -> memref<200x64xf32, #tpu.memory_space<vmem>>
    tpu.wait_dma2 semaphore(%arg16 : memref<!tpu.dma_semaphore, #tpu.memory_space<semaphore_mem>>) src(%dma_wait3A_203 : memref<200x64xf32, #tpu.memory_space<vmem>>) dst(%dma_wait3A_199 : memref<200x64xf32, #tpu.memory_space<hbm>>)
    return
  }
}

</mosaic_0001>

<sc_bundles>
// kernel: kernel.3.cloned.1.call-start
scs
__scs_entry_jumppad:
0x0: {  	(pc) =	sbr.rel $0x88, $3  }
0x1: {  	(tag) =	ssettag $0x0;
	lr =	simm.s32 $0x1  }
0x2: {  	[smem:$0x3F9E] =	sst lr;
	_ =	strace $0xD0000000  }
0x3: {  	_ = 	snop  }
0x4: {  	_ = 	snop  }
0x5: {  	_ = 	snop  }
0x6: {  	_ = 	snop  }
0x7: {  	_ = 	snop  }
__scs_overlays_trampoline_lowered:
0x8: {  	[smem:$0x3FAD] =	sst s0  }
0x9: {  	[smem:$0x3FAE] =	sst s1  }
0xa: {  	[smem:$0x3FAF] =	sst s2  }
0xb: {  	[smem:$0x3FB0] =	sst s3  }
0xc: {  	[smem:$0x3FB1] =	sst s4  }
0xd: {  	[smem:$0x3FB2] =	sst s5  }
0xe: {  	[smem:$0x3FB3] =	sst s6  }
0xf: {  	[smem:$0x3FB4] =	sst s7  }
0x10: {  	[smem:$0x3FB5] =	sst s8  }
0x11: {  	[smem:$0x3FB6] =	sst s9;
	s0 =	simm.s32 @!p0 $0x0  }
0x12: {  	s1 =	sld [smem:$0x3F9C];
	s0 =	simm.s32 @p0 $0x1  }
0x13: {  	[smem:$0x3FB7] =	sst s0;
	s0 =	simm.s32 @!p1 $0x0  }
0x14: {  	s2 =	sld [smem:$0x3F9B];
	s0 =	simm.s32 @p1 $0x1  }
0x15: {  	[smem:$0x3FB8] =	sst s0;
	s0 =	simm.s32 @!p2 $0x0  }
0x16: {  	s3 =	sld [smem:$0x3FDB];
	s0 =	simm.s32 @p2 $0x1  }
0x17: {  	s4 =	simm.s32 $0x1BF5;
	[smem:$0x3FBA] =	sst s0  }
0x18: {  	s0 =	sld [smem:$0x3F9D];
	_ =	swait.ge [sflag:s4], $0x0  }
0x19: {  	s7 =	sld [smem:$0x3F9E]  }
0x1a: {  	s8 =	sadd.s32 $0xFFFFE003, lr  }
0x1b: {  	s9 =	sadd.s32 $0xFFFFFEF7, lr;
	s5 =	simm.s32 $0xFFFFFFFF;
	p2 =	slt.u32 s8, $0xFFFFF086  }
0x1c: {  	p1 =	slt.u32 s9, $0xF7A;
	s5 =	simm.s32 @!p2 $0x0  }
0x1d: {  	s5 =	simm.s32 @p1 $0x1;
	p0 =	seq.s32 s7, s2  }
0x1e: {  	s7 =	smul.u32 @!p0 $0xF7A, s2;
	p2 =	seq.s32 @!p0 s5, $0x0  }
0x1f: {  	s9 =	smul.u32 $0xF7A, s1;
	s8 =	simm.s32 @!p0 $0x1BF5;
	p2 =	por !p2, p0  }
0x20: {  	[sflag:s8] =	ssyncset.s32 @!p0 $0xFFFFF086;
	s6 =	sadd.s32 @!p0 s3, s7;
	s7 =	simm.s32 @!p0 $0x108  }
0x21: {  	s3 =	sadd.s32 s3, s9;
	s6 =	sadd.s32 @!p0 $0x88, s6;
	s7 =	simm.s32 @p2 $0x1082  }
0x22: {  	[simem:s7], [sflag:s8] =	dma.local @!p0 [hbm:s6], $0xF7A  }
0x23: {  	s9 =	sor.u32 $0xD0000000, s2;
	s6 =	simm.s32 $0x108;
	_ =	swait.ge @!p0 [sflag:s8], $0x0  }
0x24: {  	s3 =	sadd.s32 $0x88, s3;
	s6 =	simm.s32 @!p1 $0x1082;
	[sflag:s4] =	ssyncset.s32 $0xFFFFF086  }
0x25: {  	[simem:s6], [sflag:s4] =	dma.local [hbm:s3], $0xF7A  }
0x26: {  	[smem:$0x3F9E] =	sst s1;
	(tag) =	ssettag s2;
	_ =	strace s9  }
0x27: {  	s1 =	sld [smem:$0x3FAE]  }
0x28: {  	s2 =	sld [smem:$0x3FAF]  }
0x29: {  	s4 =	sld [smem:$0x3FB1]  }
0x2a: {  	p0 =	seq.s32 s5, $0x0;
	s5 =	sld [smem:$0x3FB2]  }
0x2b: {  	s6 =	sld [smem:$0x3FB3]  }
0x2c: {  	s7 =	sld [smem:$0x3FB4]  }
0x2d: {  	s3 =	simm.s32 $0x108;
	s8 =	sld [smem:$0x3FB5]  }
0x2e: {  	s3 =	simm.s32 @!p0 $0x1082;
	s9 =	sld [smem:$0x3FB6]  }
0x2f: {  	lr =	sadd.s32 s0, s3;
	s0 =	sld [smem:$0x3FAD]  }
0x30: {  	s3 =	sld [smem:$0x3FB0]  }
0x31: {  	[smem:$0x3FB9] =	sst s10  }
0x32: {  	s10 =	sld [smem:$0x3FB7];
	_ =	sdelay $0x3  }
0x33: {  	p0 =	seq.s32 s10, $0x1;
	s10 =	sld [smem:$0x3FB9];
	_ =	sdelay $0x3  }
0x34: {  	[smem:$0x3FB9] =	sst s10  }
0x35: {  	s10 =	sld [smem:$0x3FB8];
	_ =	sdelay $0x3  }
0x36: {  	p1 =	seq.s32 s10, $0x1;
	s10 =	sld [smem:$0x3FB9];
	_ =	sdelay $0x3  }
0x37: {  	[smem:$0x3FB9] =	sst s10  }
0x38: {  	s10 =	sld [smem:$0x3FBA]  }
0x39: {  	_ = 	snop;
	(pc) =	sbr.ind lr, $3  }
0x3a: {  	_ = 	snop  }
0x3b: {  	_ = 	snop  }
0x3c: {  	p2 =	seq.s32 s10, $0x1;
	s10 =	sld [smem:$0x3FB9]  }
0x3d: {  	_ =	shalt  }
0x3e: {  	_ =	shalt  }
0x3f: {  	_ =	shalt  }
0x40: {  	_ =	shalt  }
0x41: {  	_ =	shalt  }
0x42: {  	_ =	shalt  }
0x43: {  	_ =	shalt  }
0x44: {  	_ =	shalt  }
0x45: {  	_ =	shalt  }
0x46: {  	_ =	shalt  }
0x47: {  	_ =	shalt  }
0x48: {  	_ =	shalt  }
0x49: {  	_ =	shalt  }
0x4a: {  	_ =	shalt  }
0x4b: {  	_ =	shalt  }
0x4c: {  	_ =	shalt  }
0x4d: {  	_ =	shalt  }
0x4e: {  	_ =	shalt  }
0x4f: {  	_ =	shalt  }
0x50: {  	_ =	shalt  }
0x51: {  	_ =	shalt  }
0x52: {  	_ =	shalt  }
0x53: {  	_ =	shalt  }
0x54: {  	_ =	shalt  }
0x55: {  	_ =	shalt  }
0x56: {  	_ =	shalt  }
0x57: {  	_ =	shalt  }
0x58: {  	_ =	shalt  }
0x59: {  	_ =	shalt  }
0x5a: {  	_ =	shalt  }
0x5b: {  	_ =	shalt  }
0x5c: {  	_ =	shalt  }
0x5d: {  	_ =	shalt  }
0x5e: {  	_ =	shalt  }
0x5f: {  	_ =	shalt  }
0x60: {  	_ =	shalt  }
0x61: {  	_ =	shalt  }
0x62: {  	_ =	shalt  }
0x63: {  	_ =	shalt  }
0x64: {  	_ =	shalt  }
0x65: {  	_ =	shalt  }
0x66: {  	_ =	shalt  }
0x67: {  	_ =	shalt  }
0x68: {  	_ =	shalt  }
0x69: {  	_ =	shalt  }
0x6a: {  	_ =	shalt  }
0x6b: {  	_ =	shalt  }
0x6c: {  	_ =	shalt  }
0x6d: {  	_ =	shalt  }
0x6e: {  	_ =	shalt  }
0x6f: {  	_ =	shalt  }
0x70: {  	_ =	shalt  }
0x71: {  	_ =	shalt  }
0x72: {  	_ =	shalt  }
0x73: {  	_ =	shalt  }
0x74: {  	_ =	shalt  }
0x75: {  	_ =	shalt  }
0x76: {  	_ =	shalt  }
0x77: {  	_ =	shalt  }
0x78: {  	_ =	shalt  }
0x79: {  	_ =	shalt  }
0x7a: {  	_ =	shalt  }
0x7b: {  	_ =	shalt  }
0x7c: {  	_ =	shalt  }
0x7d: {  	_ =	shalt  }
0x7e: {  	_ =	shalt  }
0x7f: {  	_ =	shalt  }
0x80: {  	_ =	shalt  }
0x81: {  	_ =	shalt  }
0x82: {  	_ =	shalt  }
0x83: {  	_ =	shalt  }
0x84: {  	_ =	shalt  }
0x85: {  	_ =	shalt  }
0x86: {  	_ =	shalt  }
0x87: {  	_ =	shalt  }
.Lfunc_end0:
.L_simem_size_0:
called_computation.1_lowered:
.L_overlay_start_0:
0x88: {  	s2 =	sld [smem:$0x3FD9]  }
0x89: {  	s3 =	sld [smem:$0x3FFE];
	_ =	sdelay $0x1  }
0x8a: {  	s1 =	srdreg.scid  }
0x8b: {  	s0 =	sand.u32 $0x1, s1  }
0x8c: {  	s17 =	sshll.u32 s0, $0xA;
	s2 =	sadd.s32 s3, s2  }
0x8d: {  	s2 =	sadd.s32 s2, s17  }
0x8e: {  	[smem:$0x3FC5] =	sst s2  }
0x8f: {  	_ = 	snop  }
0x90: {  	s2 =	sld [smem:$0x3FD0];
	(tm) =	ssettm $0x1  }
0x91: {  	s18 =	sld [smem:$0x3FFB];
	_ =	sdelay $0x3  }
0x92: {  	_ =	strace s18  }
0x93: {  	s3 =	sld [smem:$0x3FFC];
	_ =	sdelay $0x3  }
0x94: {  	_ =	strace s3  }
0x95: {  	s3 =	sld [smem:$0x3FFD];
	_ =	sdelay $0x3  }
0x96: {  	_ =	strace s3  }
0x97: {  	_ =	strace $0x8FFFFFFF  }
0x98: {  	s19 =	sld [smem:$0x3FDB];
	_ =	sdelay $0x1  }
0x99: {  	s4 =	simm.s32 $_scs_section_size  }
0x9a: {  	s5 =	simm.s32 $_size__tile_overlayer_lowered;
	s6 =	simm.s32 $_tile_overlayer_lowered  }
0x9b: {  	s22 =	simm.s32 $0x1BFF;
	s21 =	sshll.u32 s6, $0x1;
	s3 =	sadd.s32 s4, s19  }
0x9c: {  	s7 =	simm.s32 $0x0;
	s20 =	sshll.u32 s5, $0x1;
	s5 =	sadd.s32 s21, s3  }
0x9d: {  	[timem:s7], [sflag:s22] =	dma.local [hbm:s5], s20  }
0x9e: {  	_ =	swait.ge [sflag:s22], s20  }
0x9f: {  	s4 =	ssub.s32 $0x0, s20;
	[sflag:s22] =	ssyncset.done $0x0  }
0xa0: {  	[sflag:s22] =	ssyncadd.s32 s4;
	_ =	sdelay $0x1  }
0xa1: {  	s23 =	simm.s32 $0x1B8B  }
0xa2: {  	_ =	swait.ge [sflag:s23], $0x1  }
0xa3: {  	[sflag:s23] =	ssyncset.done $0x0  }
0xa4: {  	s25 =	simm.s32 $0x1B8E;
	s24 =	sld [smem:$0x3FFE];
	[sflag:s23] =	ssyncadd.s32 $0xFFFFFFFF  }
0xa5: {  	s26 =	simm.s32 $execute0_lowered;
	[smem:$0x3FD2] =	sst s25  }
0xa6: {  	s5 =	sshll.u32 s26, $0x1;
	_ =	strace $0x80000046;
	[dreg:$0x1] =	wrdreg $0xFFFFFFFF  }
0xa7: {  	s28 =	simm.s32 $_size_execute0_lowered;
	s3 =	sadd.s32 s3, s5;
	[dreg:$0x0] =	wrdreg $0x0  }
0xa8: {  	s5 =	sshll.u32 s28, $0x1;
	[dreg:$0x2] =	wrdreg s3  }
0xa9: {  	[dreg:$0x3] =	wrdreg s5  }
0xaa: {  	[dreg:$0x4] =	wrdreg $0xC0  }
0xab: {  	_ =	task [dreg:s7], $0x5FFFF  }
0xac: {  	[dreg:$0x1] =	wrdreg $0xFFFFFFFF  }
0xad: {  	[dreg:$0x0] =	wrdreg $0x60  }
0xae: {  	[dreg:$0x2] =	wrdreg s24  }
0xaf: {  	[dreg:$0x3] =	wrdreg s2  }
0xb0: {  	[dreg:$0x4] =	wrdreg $0x9  }
0xb1: {  	_ =	task.clear_ibuf [dreg:s7], $0x5FFFF;
	_ =	strace $0x90000046  }
0xb2: {  	s29 =	simm.s32 $0x9;
	_ =	strace $0x80000048  }
0xb3: {  	_ =	swait.ge [sflag:s29], $0x1  }
0xb4: {  	[sflag:s29] =	ssyncadd.s32 $0xFFFFFFFF  }
0xb5: {  	_ =	strace $0x90000048  }
0xb6: {  	_ =	sfence  }
0xb7: {  	s30 =	sld [smem:$0x0];
	_ =	sdelay $0x2  }
0xb8: {  	s31 =	sshll.u32 s1, $0xD;
	s1 =	sshrl.u32 s1, $0x2  }
0xb9: {  	s3 =	sand.u32 $0x4000, s31;
	s1 =	sadd.s32 s1, s30  }
0xba: {  	s0 =	sor.u32 s3, s0;
	s1 =	sshll.u32 s1, $0x11  }
0xbb: {  	s0 =	sor.u32 s1, s0  }
0xbc: {  	s0 =	sadd.s32 $0x8F2B, s0  }
0xbd: {  	[sflag:s0] =	ssyncadd.remote.s32 $0x1  }
0xbe: {  	_ =	sfence.sel $0xFFFF  }
0xbf: {  	[dreg:$0x0] =	wrdreg $0xFFFFFFFF;
	(pc) =	sbr.abs _section_cstart, $3  }
0xc0: {  	[dreg:$0x1] =	wrdreg $0xFFFFFFFF  }
0xc1: {  	_ =	task.clear_ibuf [dreg:s7], $0x2FFFF;
	_ =	strace $0x9FFFFFFF  }
0xc2: {  	(tm) =	ssettm $0x7FFFFFFF  }
0xc3: {  	_ =	shalt  }
tec
execute0_lowered:
.L_overlay_start_1:
0x0: {  	(tag) =	ssettag $0x1  }
0x1: {  	s0 =	srdreg.scid;
	s1 =	rddreg [dreg:$0x0]  }
0x2: {  	s3 =	stileid.u32;
	s2 =	rddreg [dreg:$0x1];
	s9 =	simm.s32 $0x9  }
0x3: {  	s11 =	simm.s32 $0x28;
	s12 =	simm.s32 $0x9600;
	s21 =	simm.s32 $0xC800  }
0x4: {  	s19 =	simm.s32 $0x12C00;
	s20 =	simm.s32 $0x13600;
	s22 =	simm.s32 $0x14000  }
0x5: {  	s23 =	simm.s32 $0x14A00;
	s24 =	simm.s32 $0x15400;
	s25 =	simm.s32 $0x1  }
0x6: {  	s28 =	simm.s32 $0x2;
	s29 =	simm.s32 $0x6;
	s30 =	simm.s32 $0x3  }
0x7: {  	s31 =	simm.s32 $0x7;
	s13 =	simm.s32 $0x0;
	s0 =	sand.u32 $0x1, s0  }
0x8: {  	s4 =	sshll.u32 s3, $0x8;
	s5 =	sshll.u32 s0, $0x7;
	s0 =	ssub.s32 $0x2, s0  }
0x9: {  	s3 =	simm.s32 $0x0;
	s4 =	sor.u32 s5, s4;
	s7 =	sshrl.u32 s0, $0x1  }
0xa: {  	[smem:$0x7FF] =	sst s3;
	s6 =	smul.u32 $0x19, s4;
	s0 =	ssub.s32 s0, s7  }
0xb: {  	_ =	strace $0x80000047;
	s5 =	sadd.s32 $0xF43000, s1;
	s0 =	smax.u32 s0, $0x1  }
0xc: {  	s6 =	sadd.s32 s6, s1;
	s1 =	sadd.s32 $0x19C00, s1;
	[dreg:$0x5] =	wrdreg s0  }
0xd: {  	s0 =	simm.s32 $0x4;
	[dreg:$0x3] =	wrdreg s1;
	s26 =	sadd.s32 $0xC00, s6  }
0xe: {  	s1 =	simm.s32 $0xFA00;
	[dreg:$0x4] =	wrdreg s26;
	s26 =	simm.s32 $0x5  }
.LBB2_1:
0xf: {  	s6 =	rddreg [dreg:$0x4]  }
0x10: {  	[tilespmem:s3], [sflag:$0x9] =	stream.linear.gather [hbm4b:s6+s3], $0x6400, $0x38;
	[tilespmem:$0x15E00] =	vst v63  }
0x11: {  	_ =	swait.ge [sflag:s9], $0x6400  }
0x12: {  	[sflag:s9] =	ssyncset.done $0x0  }
0x13: {  	s7 =	simm.s32 $0x6400;
	s15 =	rddreg [dreg:$0x3];
	[sflag:s9] =	ssyncadd.s32 $0xFFFF9C00  }
0x14: {  	[tilespmem:s7], [sflag:$0x9] =	stream.linear.gather [hbm4b:s15+s3], $0x3200, $0x38;
	[tilespmem:$0x15E00] =	vst v63  }
0x15: {  	_ =	swait.ge [sflag:s9], $0x3200  }
0x16: {  	[sflag:s9] =	ssyncset.done $0x0  }
0x17: {  	[sflag:s9] =	ssyncadd.s32 $0xFFFFCE00  }
0x18: {  	[tilespmem:s12], [sflag:$0x1] =	stream.indirect.gather [hbm4b:s5+s11], $0x40, s3, s11, $0xb8;
	[tilespmem:$0x15E00] =	vst v63  }
0x19: {  	s16 =	simm.s32 $0xA000  }
0x1a: {  	[tilespmem:s16], [sflag:$0x1] =	stream.indirect.gather [hbm4b:s5+s11], $0x40, s11, s11, $0xb8;
	[tilespmem:$0x15E00] =	vst v63  }
0x1b: {  	s17 =	simm.s32 $0x50;
	s18 =	simm.s32 $0xAA00  }
0x1c: {  	[tilespmem:s18], [sflag:$0x1] =	stream.indirect.gather [hbm4b:s5+s11], $0x40, s17, s11, $0xb8;
	[tilespmem:$0x15E00] =	vst v63  }
0x1d: {  	s8 =	simm.s32 $0x78;
	s10 =	simm.s32 $0xB400  }
0x1e: {  	[tilespmem:s10], [sflag:$0x1] =	stream.indirect.gather [hbm4b:s5+s11], $0x40, s8, s11, $0xb8;
	[tilespmem:$0x15E00] =	vst v63  }
0x1f: {  	s14 =	simm.s32 $0xA0;
	s15 =	simm.s32 $0xBE00  }
0x20: {  	[tilespmem:s15], [sflag:$0x1] =	stream.indirect.gather [hbm4b:s5+s11], $0x40, s14, s11, $0xb8;
	[tilespmem:$0x15E00] =	vst v63  }
0x21: {  	s16 =	simm.s32 $0xC8  }
0x22: {  	[tilespmem:s21], [sflag:$0x2] =	stream.indirect.gather [hbm4b:s5+s11], $0x40, s16, s11, $0xb8;
	[tilespmem:$0x15E00] =	vst v63  }
0x23: {  	s17 =	simm.s32 $0xF0;
	s18 =	simm.s32 $0xD200  }
0x24: {  	[tilespmem:s18], [sflag:$0x2] =	stream.indirect.gather [hbm4b:s5+s11], $0x40, s17, s11, $0xb8;
	[tilespmem:$0x15E00] =	vst v63  }
0x25: {  	s8 =	simm.s32 $0x118;
	s10 =	simm.s32 $0xDC00  }
0x26: {  	[tilespmem:s10], [sflag:$0x2] =	stream.indirect.gather [hbm4b:s5+s11], $0x40, s8, s11, $0xb8;
	[tilespmem:$0x15E00] =	vst v63  }
0x27: {  	s14 =	simm.s32 $0x140;
	s15 =	simm.s32 $0xE600  }
0x28: {  	[tilespmem:s15], [sflag:$0x2] =	stream.indirect.gather [hbm4b:s5+s11], $0x40, s14, s11, $0xb8;
	[tilespmem:$0x15E00] =	vst v63  }
0x29: {  	s16 =	simm.s32 $0x168;
	s17 =	simm.s32 $0xF000  }
0x2a: {  	[tilespmem:s17], [sflag:$0x2] =	stream.indirect.gather [hbm4b:s5+s11], $0x40, s16, s11, $0xb8;
	[tilespmem:$0x15E00] =	vst v63  }
0x2b: {  	s18 =	simm.s32 $0x190  }
0x2c: {  	[tilespmem:s1], [sflag:$0x3] =	stream.indirect.gather [hbm4b:s5+s11], $0x40, s18, s11, $0xb8;
	[tilespmem:$0x15E00] =	vst v63  }
0x2d: {  	s7 =	simm.s32 $0x1B8;
	s8 =	simm.s32 $0x10400  }
0x2e: {  	[tilespmem:s8], [sflag:$0x3] =	stream.indirect.gather [hbm4b:s5+s11], $0x40, s7, s11, $0xb8;
	[tilespmem:$0x15E00] =	vst v63  }
0x2f: {  	s10 =	simm.s32 $0x1E0;
	s14 =	simm.s32 $0x10E00  }
0x30: {  	[tilespmem:s14], [sflag:$0x3] =	stream.indirect.gather [hbm4b:s5+s11], $0x40, s10, s11, $0xb8;
	[tilespmem:$0x15E00] =	vst v63  }
0x31: {  	s15 =	simm.s32 $0x208;
	s16 =	simm.s32 $0x11800  }
0x32: {  	[tilespmem:s16], [sflag:$0x3] =	stream.indirect.gather [hbm4b:s5+s11], $0x40, s15, s11, $0xb8;
	[tilespmem:$0x15E00] =	vst v63  }
0x33: {  	s17 =	simm.s32 $0x230;
	s18 =	simm.s32 $0x12200;
	s14 =	simm.s32 $0x0  }
0x34: {  	[tilespmem:s18], [sflag:$0x3] =	stream.indirect.gather [hbm4b:s5+s11], $0x40, s17, s11, $0xb8;
	[tilespmem:$0x15E00] =	vst v63  }
.LBB2_2:
0x35: {  	s16 =	sshll.u32 s14, $0x2;
	p0 =	seq.s32 s14, $0x0  }
0x36: {  	s6 =	simm.s32 @!p0 $0x8;
	s15 =	sor.u32 $0x3, s16  }
0x37: {  	_ =	swait.ge @!p0 [sflag:s6], $0x3200;
	s7 =	smul.u32 $0x320, s15  }
0x38: {  	[sflag:s6] =	ssyncset.done @!p0 $0x0  }
0x39: {  	[sflag:s6] =	ssyncadd.s32 @!p0 $0xFFFFCE00;
	s10 =	sshra.s32 s7, $0x2  }
0x3a: {  	[tilespmem:s19], [sflag:$0x4] =	stream.indirect.gather [hbm4b:s5+s11], $0x40, s10, s11, $0xb8;
	[tilespmem:$0x15E00] =	vst v63  }
0x3b: {  	s7 =	sadd.s32 $0x28, s10  }
0x3c: {  	[tilespmem:s20], [sflag:$0x4] =	stream.indirect.gather [hbm4b:s5+s11], $0x40, s7, s11, $0xb8;
	[tilespmem:$0x15E00] =	vst v63  }
0x3d: {  	s17 =	sadd.s32 $0x50, s10  }
0x3e: {  	[tilespmem:s22], [sflag:$0x4] =	stream.indirect.gather [hbm4b:s5+s11], $0x40, s17, s11, $0xb8;
	[tilespmem:$0x15E00] =	vst v63  }
0x3f: {  	s18 =	sadd.s32 $0x78, s10  }
0x40: {  	[tilespmem:s23], [sflag:$0x4] =	stream.indirect.gather [hbm4b:s5+s11], $0x40, s18, s11, $0xb8;
	[tilespmem:$0x15E00] =	vst v63  }
0x41: {  	s6 =	sadd.s32 $0xA0, s10  }
0x42: {  	[tilespmem:s24], [sflag:$0x4] =	stream.indirect.gather [hbm4b:s5+s11], $0x40, s6, s11, $0xb8;
	[tilespmem:$0x15E00] =	vst v63  }
0x43: {  	_ =	swait.ge [sflag:s25], $0xA00  }
0x44: {  	[sflag:s25] =	ssyncset.done $0x0  }
0x45: {  	[sflag:s25] =	ssyncadd.s32 $0xFFFFF600  }
0x46: {  	_ =	swait.ge [sflag:s25], $0xA00  }
0x47: {  	[sflag:s25] =	ssyncset.done $0x0  }
0x48: {  	[sflag:s25] =	ssyncadd.s32 $0xFFFFF600  }
0x49: {  	_ =	swait.ge [sflag:s25], $0xA00  }
0x4a: {  	[sflag:s25] =	ssyncset.done $0x0  }
0x4b: {  	[sflag:s25] =	ssyncadd.s32 $0xFFFFF600  }
0x4c: {  	_ =	swait.ge [sflag:s25], $0xA00  }
0x4d: {  	[sflag:s25] =	ssyncset.done $0x0  }
0x4e: {  	[sflag:s25] =	ssyncadd.s32 $0xFFFFF600  }
0x4f: {  	_ =	swait.ge [sflag:s25], $0xA00  }
0x50: {  	[sflag:s25] =	ssyncset.done $0x0  }
0x51: {  	s17 =	simm.s32 $0x9680;
	[sflag:s25] =	ssyncadd.s32 $0xFFFFF600  }
0x52: {  	s6 =	simm.s32 $0x6480;
	v0 =	vld [tilespmem:s17+$0x40]  }
0x53: {  	v1 =	vld [tilespmem:s6+$0x40]  }
0x54: {  	v2 =	vld [tilespmem:s17+$0xFFFFFFC0]  }
0x55: {  	v3 =	vld [tilespmem:s6+$0xFFFFFFC0]  }
0x56: {  	v4 =	vld [tilespmem:s17+$0x0]  }
0x57: {  	v5 =	vld [tilespmem:s6+$0x0]  }
0x58: {  	v6 =	vld [tilespmem:s17+$0xFFFFFF80];
	v0 =	vadd.f32 v1, v0  }
0x59: {  	v1 =	vld [tilespmem:s6+$0xFFFFFF80]  }
0x5a: {  	[tilespmem:s17+$0x40] =	vst v0;
	v0 =	vld [tilespmem:s17+$0x50]  }
0x5b: {  	v2 =	vadd.f32 v3, v2;
	v3 =	vld [tilespmem:s6+$0x50]  }
0x5c: {  	v7 =	vld [tilespmem:s17+$0xFFFFFF90]  }
0x5d: {  	[tilespmem:s17+$0xFFFFFFC0] =	vst v2;
	v2 =	vadd.f32 v5, v4;
	v4 =	vld [tilespmem:s17+$0xFFFFFFD0]  }
0x5e: {  	v5 =	vld [tilespmem:s6+$0xFFFFFFD0];
	v1 =	vadd.f32 v1, v6  }
0x5f: {  	[tilespmem:s17+$0x0] =	vst v2;
	v2 =	vld [tilespmem:s17+$0x10]  }
0x60: {  	v6 =	vld [tilespmem:s6+$0x10];
	[tilespmem:s17+$0xFFFFFF80] =	vst v1;
	v0 =	vadd.f32 v3, v0  }
0x61: {  	v1 =	vld [tilespmem:s6+$0xFFFFFF90]  }
0x62: {  	[tilespmem:s17+$0x50] =	vst v0;
	v0 =	vld [tilespmem:s17+$0x60]  }
0x63: {  	v3 =	vadd.f32 v5, v4;
	v4 =	vld [tilespmem:s6+$0x60]  }
0x64: {  	v5 =	vld [tilespmem:s17+$0xFFFFFFA0]  }
0x65: {  	[tilespmem:s17+$0xFFFFFFD0] =	vst v3;
	v2 =	vadd.f32 v6, v2;
	v3 =	vld [tilespmem:s17+$0xFFFFFFE0]  }
0x66: {  	v6 =	vld [tilespmem:s6+$0xFFFFFFE0];
	v1 =	vadd.f32 v1, v7  }
0x67: {  	[tilespmem:s17+$0x10] =	vst v2;
	v2 =	vld [tilespmem:s17+$0x20]  }
0x68: {  	v7 =	vld [tilespmem:s6+$0x20];
	[tilespmem:s17+$0xFFFFFF90] =	vst v1;
	v0 =	vadd.f32 v4, v0  }
0x69: {  	v4 =	vld [tilespmem:s6+$0xFFFFFFA0]  }
0x6a: {  	v8 =	vld [tilespmem:s17+$0x70];
	[tilespmem:s17+$0x60] =	vst v0  }
0x6b: {  	v1 =	vadd.f32 v6, v3;
	v6 =	vld [tilespmem:s6+$0x70]  }
0x6c: {  	v0 =	vld [tilespmem:s17+$0xFFFFFFB0]  }
0x6d: {  	[tilespmem:s17+$0xFFFFFFE0] =	vst v1;
	v2 =	vadd.f32 v7, v2;
	v1 =	vld [tilespmem:s17+$0xFFFFFFF0]  }
0x6e: {  	v3 =	vld [tilespmem:s6+$0xFFFFFFF0];
	v4 =	vadd.f32 v4, v5  }
0x6f: {  	[tilespmem:s17+$0x20] =	vst v2;
	v2 =	vld [tilespmem:s17+$0x30]  }
0x70: {  	[tilespmem:s17+$0xFFFFFFA0] =	vst v4;
	v4 =	vld [tilespmem:s6+$0x30];
	v6 =	vadd.f32 v6, v8  }
0x71: {  	s8 =	simm.s32 $0x9780;
	s7 =	simm.s32 $0x0;
	v5 =	vld [tilespmem:s6+$0xFFFFFFB0]  }
.LBB2_3:
0x72: {  	v7 =	vld [tilespmem:s8+$0x40];
	[tilespmem:s17+$0x70] =	vst v6;
	s6 =	sadd.s32 $0x100, s6  }
0x73: {  	s7 =	sadd.s32 $0x4, s7;
	v6 =	vld [tilespmem:s6+$0x40];
	v1 =	vadd.f32 v3, v1  }
0x74: {  	p0 =	slt.u32 s7, $0xC4;
	v3 =	vld [tilespmem:s6+$0xFFFFFF80]  }
0x75: {  	v8 =	vld [tilespmem:s8+$0xFFFFFFC0];
	[tilespmem:s17+$0xFFFFFFF0] =	vst v1;
	v1 =	vadd.f32 v4, v2  }
0x76: {  	v2 =	vld [tilespmem:s6+$0xFFFFFFC0];
	v0 =	vadd.f32 v5, v0  }
0x77: {  	v4 =	vld [tilespmem:s8+$0x0];
	[tilespmem:s17+$0x30] =	vst v1  }
0x78: {  	v1 =	vld [tilespmem:s6+$0x0];
	v5 =	vadd.f32 v6, v7;
	[tilespmem:s17+$0xFFFFFFB0] =	vst v0;
	s17 =	smov.u32 s8  }
0x79: {  	v0 =	vld [tilespmem:s8+$0xFFFFFF80]  }
0x7a: {  	[tilespmem:s8+$0x40] =	vst v5;
	v5 =	vld [tilespmem:s8+$0x50]  }
0x7b: {  	v2 =	vadd.f32 v2, v8;
	v6 =	vld [tilespmem:s6+$0x50]  }
0x7c: {  	v7 =	vld [tilespmem:s8+$0xFFFFFF90]  }
0x7d: {  	[tilespmem:s8+$0xFFFFFFC0] =	vst v2;
	v2 =	vld [tilespmem:s8+$0xFFFFFFD0];
	v1 =	vadd.f32 v1, v4  }
0x7e: {  	v0 =	vadd.f32 v3, v0;
	v3 =	vld [tilespmem:s6+$0xFFFFFFD0]  }
0x7f: {  	[tilespmem:s8+$0x0] =	vst v1;
	v1 =	vld [tilespmem:s8+$0x10]  }
0x80: {  	[tilespmem:s8+$0xFFFFFF80] =	vst v0;
	v0 =	vld [tilespmem:s6+$0x10];
	v4 =	vadd.f32 v6, v5  }
0x81: {  	v5 =	vld [tilespmem:s6+$0xFFFFFF90]  }
0x82: {  	[tilespmem:s8+$0x50] =	vst v4;
	v4 =	vld [tilespmem:s8+$0x60]  }
0x83: {  	v2 =	vadd.f32 v3, v2;
	v3 =	vld [tilespmem:s6+$0x60]  }
0x84: {  	v6 =	vld [tilespmem:s8+$0xFFFFFFA0]  }
0x85: {  	[tilespmem:s8+$0xFFFFFFD0] =	vst v2;
	v2 =	vld [tilespmem:s8+$0xFFFFFFE0];
	v0 =	vadd.f32 v0, v1  }
0x86: {  	v1 =	vadd.f32 v5, v7;
	v5 =	vld [tilespmem:s6+$0xFFFFFFE0]  }
0x87: {  	[tilespmem:s8+$0x10] =	vst v0;
	v7 =	vld [tilespmem:s8+$0x20]  }
0x88: {  	[tilespmem:s8+$0xFFFFFF90] =	vst v1;
	v8 =	vld [tilespmem:s6+$0x20];
	v0 =	vadd.f32 v3, v4  }
0x89: {  	v3 =	vld [tilespmem:s6+$0xFFFFFFA0]  }
0x8a: {  	[tilespmem:s8+$0x60] =	vst v0;
	v9 =	vld [tilespmem:s8+$0x70]  }
0x8b: {  	v1 =	vadd.f32 v5, v2;
	v5 =	vld [tilespmem:s6+$0x70]  }
0x8c: {  	v0 =	vld [tilespmem:s8+$0xFFFFFFB0]  }
.Ltmp0:
0x8d: {  	[tilespmem:s8+$0xFFFFFFE0] =	vst v1;
	v1 =	vld [tilespmem:s8+$0xFFFFFFF0];
	v2 =	vadd.f32 v8, v7;
	(pc) =	sbr.rel @p0 .LBB2_3-.Ltmp0, $4  }
0x8e: {  	v4 =	vadd.f32 v3, v6;
	v3 =	vld [tilespmem:s6+$0xFFFFFFF0]  }
0x8f: {  	[tilespmem:s8+$0x20] =	vst v2;
	v2 =	vld [tilespmem:s8+$0x30]  }
0x90: {  	[tilespmem:s8+$0xFFFFFFA0] =	vst v4;
	v4 =	vld [tilespmem:s6+$0x30];
	v6 =	vadd.f32 v5, v9  }
0x91: {  	s8 =	sadd.s32 $0x100, s8;
	v5 =	vld [tilespmem:s6+$0xFFFFFFB0]  }
0x92: {  	_ =	sdelay $0x1  }
0x93: {  	v1 =	vadd.f32 v3, v1  }
0x94: {  	[tilespmem:s17+$0x70] =	vst v6;
	s6 =	sadd.s32 s4, s16;
	v2 =	vadd.f32 v4, v2  }
0x95: {  	s6 =	smul.u32 $0x640, s6;
	[tilespmem:s17+$0xFFFFFFF0] =	vst v1;
	v0 =	vadd.f32 v5, v0  }
0x96: {  	[tilespmem:s17+$0x30] =	vst v2  }
0x97: {  	p0 =	seq.s32 s14, $0x1F;
	s6 =	sadd.s32 s2, s6;
	[tilespmem:s17+$0xFFFFFFB0] =	vst v0  }
0x98: {  	[hbm4b:s6+s3] =	stream.linear.scatter [tilespmem:s12], [sflag:$0x5], $0x3200, $0x38;
	[tilespmem:$0x15E00] =	vst v63  }
0x99: {  	s6 =	smul.u32 @!p0 $0xC80, s14  }
0x9a: {  	_ =	swait.ge [sflag:s26], $0x3200  }
0x9b: {  	s7 =	simm.s32 @!p0 $0x28;
	[sflag:s26] =	ssyncset.done $0x0;
	s17 =	sshra.s32 @!p0 s6, $0x2  }
0x9c: {  	s8 =	simm.s32 @!p0 $0x9600;
	[sflag:s26] =	ssyncadd.s32 $0xFFFFCE00;
	s6 =	sadd.s32 @!p0 $0x320, s17  }
0x9d: {  	[tilespmem:s8], [sflag:$0x1] =	stream.indirect.gather @!p0 [hbm4b:s5+s7], $0x40, s6, s7, $0xb8;
	[tilespmem:$0x15E00] =	vst v63  }
0x9e: {  	s6 =	sadd.s32 @!p0 $0x348, s17;
	s8 =	simm.s32 @!p0 $0xA000  }
0x9f: {  	[tilespmem:s8], [sflag:$0x1] =	stream.indirect.gather @!p0 [hbm4b:s5+s7], $0x40, s6, s7, $0xb8;
	[tilespmem:$0x15E00] =	vst v63  }
0xa0: {  	s6 =	sadd.s32 @!p0 $0x370, s17;
	s8 =	simm.s32 @!p0 $0xAA00  }
0xa1: {  	[tilespmem:s8], [sflag:$0x1] =	stream.indirect.gather @!p0 [hbm4b:s5+s7], $0x40, s6, s7, $0xb8;
	[tilespmem:$0x15E00] =	vst v63  }
0xa2: {  	s6 =	sadd.s32 @!p0 $0x398, s17;
	s8 =	simm.s32 @!p0 $0xB400  }
0xa3: {  	[tilespmem:s8], [sflag:$0x1] =	stream.indirect.gather @!p0 [hbm4b:s5+s7], $0x40, s6, s7, $0xb8;
	[tilespmem:$0x15E00] =	vst v63  }
0xa4: {  	s6 =	sadd.s32 @!p0 $0x3C0, s17;
	s8 =	simm.s32 @!p0 $0xBE00  }
0xa5: {  	[tilespmem:s8], [sflag:$0x1] =	stream.indirect.gather @!p0 [hbm4b:s5+s7], $0x40, s6, s7, $0xb8;
	[tilespmem:$0x15E00] =	vst v63  }
0xa6: {  	_ =	swait.ge [sflag:s28], $0xA00  }
0xa7: {  	[sflag:s28] =	ssyncset.done $0x0  }
0xa8: {  	[sflag:s28] =	ssyncadd.s32 $0xFFFFF600  }
0xa9: {  	_ =	swait.ge [sflag:s28], $0xA00  }
0xaa: {  	[sflag:s28] =	ssyncset.done $0x0  }
0xab: {  	[sflag:s28] =	ssyncadd.s32 $0xFFFFF600  }
0xac: {  	_ =	swait.ge [sflag:s28], $0xA00  }
0xad: {  	[sflag:s28] =	ssyncset.done $0x0  }
0xae: {  	[sflag:s28] =	ssyncadd.s32 $0xFFFFF600  }
0xaf: {  	_ =	swait.ge [sflag:s28], $0xA00  }
0xb0: {  	[sflag:s28] =	ssyncset.done $0x0  }
0xb1: {  	[sflag:s28] =	ssyncadd.s32 $0xFFFFF600  }
0xb2: {  	_ =	swait.ge [sflag:s28], $0xA00  }
0xb3: {  	[sflag:s28] =	ssyncset.done $0x0  }
0xb4: {  	s18 =	simm.s32 $0xC8F0;
	[sflag:s28] =	ssyncadd.s32 $0xFFFFF600  }
0xb5: {  	s6 =	simm.s32 $0x6480;
	v0 =	vld [tilespmem:s18+$0xFFFFFFD0]  }
0xb6: {  	v1 =	vld [tilespmem:s6+$0x40]  }
0xb7: {  	v2 =	vld [tilespmem:s18+$0xFFFFFF50]  }
0xb8: {  	v3 =	vld [tilespmem:s6+$0xFFFFFFC0]  }
0xb9: {  	v4 =	vld [tilespmem:s18+$0xFFFFFF90]  }
0xba: {  	v5 =	vld [tilespmem:s6+$0x0]  }
0xbb: {  	v6 =	vld [tilespmem:s18+$0xFFFFFF10];
	v0 =	vadd.f32 v1, v0  }
0xbc: {  	v1 =	vld [tilespmem:s6+$0xFFFFFF80]  }
0xbd: {  	[tilespmem:s18+$0xFFFFFFD0] =	vst v0;
	v0 =	vld [tilespmem:s18+$0xFFFFFFE0]  }
0xbe: {  	v2 =	vadd.f32 v3, v2;
	v3 =	vld [tilespmem:s6+$0x50]  }
0xbf: {  	v7 =	vld [tilespmem:s18+$0xFFFFFF20]  }
0xc0: {  	[tilespmem:s18+$0xFFFFFF50] =	vst v2;
	v2 =	vadd.f32 v5, v4;
	v4 =	vld [tilespmem:s18+$0xFFFFFF60]  }
0xc1: {  	v5 =	vld [tilespmem:s6+$0xFFFFFFD0];
	v1 =	vadd.f32 v1, v6  }
0xc2: {  	[tilespmem:s18+$0xFFFFFF90] =	vst v2;
	v2 =	vld [tilespmem:s18+$0xFFFFFFA0]  }
0xc3: {  	v6 =	vld [tilespmem:s6+$0x10];
	[tilespmem:s18+$0xFFFFFF10] =	vst v1;
	v0 =	vadd.f32 v3, v0  }
0xc4: {  	v1 =	vld [tilespmem:s6+$0xFFFFFF90]  }
0xc5: {  	[tilespmem:s18+$0xFFFFFFE0] =	vst v0;
	v0 =	vld [tilespmem:s18+$0xFFFFFFF0]  }
0xc6: {  	v3 =	vadd.f32 v5, v4;
	v4 =	vld [tilespmem:s6+$0x60]  }
0xc7: {  	v5 =	vld [tilespmem:s18+$0xFFFFFF30]  }
0xc8: {  	[tilespmem:s18+$0xFFFFFF60] =	vst v3;
	v2 =	vadd.f32 v6, v2;
	v3 =	vld [tilespmem:s18+$0xFFFFFF70]  }
0xc9: {  	v6 =	vld [tilespmem:s6+$0xFFFFFFE0];
	v1 =	vadd.f32 v1, v7  }
0xca: {  	[tilespmem:s18+$0xFFFFFFA0] =	vst v2;
	v2 =	vld [tilespmem:s18+$0xFFFFFFB0]  }
0xcb: {  	v7 =	vld [tilespmem:s6+$0x20];
	[tilespmem:s18+$0xFFFFFF20] =	vst v1;
	v0 =	vadd.f32 v4, v0  }
0xcc: {  	v4 =	vld [tilespmem:s6+$0xFFFFFFA0]  }
0xcd: {  	v8 =	vld [tilespmem:s18+$0x0];
	[tilespmem:s18+$0xFFFFFFF0] =	vst v0  }
0xce: {  	v1 =	vadd.f32 v6, v3;
	v6 =	vld [tilespmem:s6+$0x70]  }
0xcf: {  	v0 =	vld [tilespmem:s18+$0xFFFFFF40]  }
0xd0: {  	[tilespmem:s18+$0xFFFFFF70] =	vst v1;
	v2 =	vadd.f32 v7, v2;
	v1 =	vld [tilespmem:s18+$0xFFFFFF80]  }
0xd1: {  	v3 =	vld [tilespmem:s6+$0xFFFFFFF0];
	v4 =	vadd.f32 v4, v5  }
0xd2: {  	[tilespmem:s18+$0xFFFFFFB0] =	vst v2;
	v2 =	vld [tilespmem:s18+$0xFFFFFFC0]  }
0xd3: {  	[tilespmem:s18+$0xFFFFFF30] =	vst v4;
	v4 =	vld [tilespmem:s6+$0x30];
	v6 =	vadd.f32 v6, v8  }
0xd4: {  	s10 =	simm.s32 $0xC9F0;
	s7 =	sor.u32 $0x1, s16;
	s8 =	simm.s32 $0x0;
	v5 =	vld [tilespmem:s6+$0xFFFFFFB0]  }
.LBB2_5:
0xd5: {  	v7 =	vld [tilespmem:s10+$0xFFFFFFD0];
	[tilespmem:s18+$0x0] =	vst v6;
	s6 =	sadd.s32 $0x100, s6  }
0xd6: {  	s8 =	sadd.s32 $0x4, s8;
	v6 =	vld [tilespmem:s6+$0x40];
	v1 =	vadd.f32 v3, v1  }
0xd7: {  	p1 =	slt.u32 s8, $0xC4;
	v3 =	vld [tilespmem:s6+$0xFFFFFF80]  }
0xd8: {  	v8 =	vld [tilespmem:s10+$0xFFFFFF50];
	[tilespmem:s18+$0xFFFFFF80] =	vst v1;
	v1 =	vadd.f32 v4, v2  }
0xd9: {  	v2 =	vld [tilespmem:s6+$0xFFFFFFC0];
	v0 =	vadd.f32 v5, v0  }
0xda: {  	v4 =	vld [tilespmem:s10+$0xFFFFFF90];
	[tilespmem:s18+$0xFFFFFFC0] =	vst v1  }
0xdb: {  	v1 =	vld [tilespmem:s6+$0x0];
	v5 =	vadd.f32 v6, v7;
	[tilespmem:s18+$0xFFFFFF40] =	vst v0;
	s18 =	smov.u32 s10  }
0xdc: {  	v0 =	vld [tilespmem:s10+$0xFFFFFF10]  }
0xdd: {  	[tilespmem:s10+$0xFFFFFFD0] =	vst v5;
	v5 =	vld [tilespmem:s10+$0xFFFFFFE0]  }
0xde: {  	v2 =	vadd.f32 v2, v8;
	v6 =	vld [tilespmem:s6+$0x50]  }
0xdf: {  	v7 =	vld [tilespmem:s10+$0xFFFFFF20]  }
0xe0: {  	[tilespmem:s10+$0xFFFFFF50] =	vst v2;
	v2 =	vld [tilespmem:s10+$0xFFFFFF60];
	v1 =	vadd.f32 v1, v4  }
0xe1: {  	v0 =	vadd.f32 v3, v0;
	v3 =	vld [tilespmem:s6+$0xFFFFFFD0]  }
0xe2: {  	[tilespmem:s10+$0xFFFFFF90] =	vst v1;
	v1 =	vld [tilespmem:s10+$0xFFFFFFA0]  }
0xe3: {  	[tilespmem:s10+$0xFFFFFF10] =	vst v0;
	v0 =	vld [tilespmem:s6+$0x10];
	v4 =	vadd.f32 v6, v5  }
0xe4: {  	v5 =	vld [tilespmem:s6+$0xFFFFFF90]  }
0xe5: {  	[tilespmem:s10+$0xFFFFFFE0] =	vst v4;
	v4 =	vld [tilespmem:s10+$0xFFFFFFF0]  }
0xe6: {  	v2 =	vadd.f32 v3, v2;
	v3 =	vld [tilespmem:s6+$0x60]  }
0xe7: {  	v6 =	vld [tilespmem:s10+$0xFFFFFF30]  }
0xe8: {  	[tilespmem:s10+$0xFFFFFF60] =	vst v2;
	v2 =	vld [tilespmem:s10+$0xFFFFFF70];
	v0 =	vadd.f32 v0, v1  }
0xe9: {  	v1 =	vadd.f32 v5, v7;
	v5 =	vld [tilespmem:s6+$0xFFFFFFE0]  }
0xea: {  	[tilespmem:s10+$0xFFFFFFA0] =	vst v0;
	v7 =	vld [tilespmem:s10+$0xFFFFFFB0]  }
0xeb: {  	[tilespmem:s10+$0xFFFFFF20] =	vst v1;
	v8 =	vld [tilespmem:s6+$0x20];
	v0 =	vadd.f32 v3, v4  }
0xec: {  	v3 =	vld [tilespmem:s6+$0xFFFFFFA0]  }
0xed: {  	[tilespmem:s10+$0xFFFFFFF0] =	vst v0;
	v9 =	vld [tilespmem:s10+$0x0]  }
0xee: {  	v1 =	vadd.f32 v5, v2;
	v5 =	vld [tilespmem:s6+$0x70]  }
0xef: {  	v0 =	vld [tilespmem:s10+$0xFFFFFF40]  }
.Ltmp1:
0xf0: {  	[tilespmem:s10+$0xFFFFFF70] =	vst v1;
	v1 =	vld [tilespmem:s10+$0xFFFFFF80];
	v2 =	vadd.f32 v8, v7;
	(pc) =	sbr.rel @p1 .LBB2_5-.Ltmp1, $4  }
0xf1: {  	v4 =	vadd.f32 v3, v6;
	v3 =	vld [tilespmem:s6+$0xFFFFFFF0]  }
0xf2: {  	[tilespmem:s10+$0xFFFFFFB0] =	vst v2;
	v2 =	vld [tilespmem:s10+$0xFFFFFFC0]  }
0xf3: {  	[tilespmem:s10+$0xFFFFFF30] =	vst v4;
	v4 =	vld [tilespmem:s6+$0x30];
	v6 =	vadd.f32 v5, v9  }
0xf4: {  	s10 =	sadd.s32 $0x100, s10;
	v5 =	vld [tilespmem:s6+$0xFFFFFFB0]  }
0xf5: {  	_ =	sdelay $0x1  }
0xf6: {  	v1 =	vadd.f32 v3, v1  }
0xf7: {  	[tilespmem:s18+$0x0] =	vst v6;
	s6 =	sadd.s32 s4, s7;
	v2 =	vadd.f32 v4, v2  }
0xf8: {  	s6 =	smul.u32 $0x640, s6;
	[tilespmem:s18+$0xFFFFFF80] =	vst v1;
	v0 =	vadd.f32 v5, v0  }
0xf9: {  	[tilespmem:s18+$0xFFFFFFC0] =	vst v2  }
0xfa: {  	s6 =	sadd.s32 s2, s6;
	[tilespmem:s18+$0xFFFFFF40] =	vst v0  }
0xfb: {  	[hbm4b:s6+s3] =	stream.linear.scatter [tilespmem:s21], [sflag:$0x6], $0x3200, $0x38;
	[tilespmem:$0x15E00] =	vst v63  }
0xfc: {  	_ =	swait.ge [sflag:s29], $0x3200  }
0xfd: {  	s7 =	simm.s32 @!p0 $0x28;
	[sflag:s29] =	ssyncset.done $0x0  }
0xfe: {  	s8 =	simm.s32 @!p0 $0xC800;
	s6 =	sadd.s32 @!p0 $0x3E8, s17;
	[sflag:s29] =	ssyncadd.s32 $0xFFFFCE00  }
0xff: {  	[tilespmem:s8], [sflag:$0x2] =	stream.indirect.gather @!p0 [hbm4b:s5+s7], $0x40, s6, s7, $0xb8;
	[tilespmem:$0x15E00] =	vst v63  }
0x100: {  	s6 =	sadd.s32 @!p0 $0x410, s17;
	s8 =	simm.s32 @!p0 $0xD200  }
0x101: {  	[tilespmem:s8], [sflag:$0x2] =	stream.indirect.gather @!p0 [hbm4b:s5+s7], $0x40, s6, s7, $0xb8;
	[tilespmem:$0x15E00] =	vst v63  }
0x102: {  	s6 =	sadd.s32 @!p0 $0x438, s17;
	s8 =	simm.s32 @!p0 $0xDC00  }
0x103: {  	[tilespmem:s8], [sflag:$0x2] =	stream.indirect.gather @!p0 [hbm4b:s5+s7], $0x40, s6, s7, $0xb8;
	[tilespmem:$0x15E00] =	vst v63  }
0x104: {  	s6 =	sadd.s32 @!p0 $0x460, s17;
	s8 =	simm.s32 @!p0 $0xE600  }
0x105: {  	[tilespmem:s8], [sflag:$0x2] =	stream.indirect.gather @!p0 [hbm4b:s5+s7], $0x40, s6, s7, $0xb8;
	[tilespmem:$0x15E00] =	vst v63  }
0x106: {  	s6 =	sadd.s32 @!p0 $0x488, s17;
	s8 =	simm.s32 @!p0 $0xF000  }
0x107: {  	[tilespmem:s8], [sflag:$0x2] =	stream.indirect.gather @!p0 [hbm4b:s5+s7], $0x40, s6, s7, $0xb8;
	[tilespmem:$0x15E00] =	vst v63  }
0x108: {  	_ =	swait.ge [sflag:s30], $0xA00  }
0x109: {  	[sflag:s30] =	ssyncset.done $0x0  }
0x10a: {  	[sflag:s30] =	ssyncadd.s32 $0xFFFFF600  }
0x10b: {  	_ =	swait.ge [sflag:s30], $0xA00  }
0x10c: {  	[sflag:s30] =	ssyncset.done $0x0  }
0x10d: {  	[sflag:s30] =	ssyncadd.s32 $0xFFFFF600  }
0x10e: {  	_ =	swait.ge [sflag:s30], $0xA00  }
0x10f: {  	[sflag:s30] =	ssyncset.done $0x0  }
0x110: {  	[sflag:s30] =	ssyncadd.s32 $0xFFFFF600  }
0x111: {  	_ =	swait.ge [sflag:s30], $0xA00  }
0x112: {  	[sflag:s30] =	ssyncset.done $0x0  }
0x113: {  	[sflag:s30] =	ssyncadd.s32 $0xFFFFF600  }
0x114: {  	_ =	swait.ge [sflag:s30], $0xA00  }
0x115: {  	[sflag:s30] =	ssyncset.done $0x0  }
0x116: {  	s18 =	simm.s32 $0x0;
	[sflag:s30] =	ssyncadd.s32 $0xFFFFF600  }
0x117: {  	v0 =	vld [tilespmem:s18+$0xFAF0]  }
0x118: {  	v1 =	vld [tilespmem:s18+$0x64F0]  }
0x119: {  	v2 =	vld [tilespmem:s18+$0xFA00]  }
0x11a: {  	v3 =	vld [tilespmem:s18+$0x6400]  }
0x11b: {  	v4 =	vld [tilespmem:s18+$0xFA10]  }
0x11c: {  	v5 =	vld [tilespmem:s18+$0x6410]  }
0x11d: {  	v6 =	vld [tilespmem:s18+$0xFA20]  }
0x11e: {  	v7 =	vld [tilespmem:s18+$0x6420]  }
0x11f: {  	v8 =	vld [tilespmem:s18+$0xFA30]  }
0x120: {  	v9 =	vld [tilespmem:s18+$0x6430]  }
0x121: {  	v10 =	vld [tilespmem:s18+$0xFA40]  }
0x122: {  	v11 =	vld [tilespmem:s18+$0x6440]  }
0x123: {  	v12 =	vld [tilespmem:s18+$0xFA50]  }
0x124: {  	v13 =	vld [tilespmem:s18+$0x6450]  }
0x125: {  	v14 =	vld [tilespmem:s18+$0xFA60]  }
0x126: {  	v15 =	vld [tilespmem:s18+$0x6460]  }
0x127: {  	v16 =	vld [tilespmem:s18+$0xFA70]  }
0x128: {  	v61 =	vld [tilespmem:s18+$0x64A0];
	v0 =	vadd.f32 v1, v0  }
0x129: {  	v1 =	vld [tilespmem:s18+$0x6470];
	v2 =	vadd.f32 v3, v2  }
0x12a: {  	v3 =	vld [tilespmem:s18+$0xFA80];
	[tilespmem:s18+$0xFAF0] =	vst v0;
	v0 =	vadd.f32 v5, v4  }
0x12b: {  	v4 =	vld [tilespmem:s18+$0x6480];
	[tilespmem:s18+$0xFA00] =	vst v2;
	v2 =	vadd.f32 v7, v6  }
0x12c: {  	v5 =	vld [tilespmem:s18+$0xFA90];
	[tilespmem:s18+$0xFA10] =	vst v0;
	v0 =	vadd.f32 v9, v8  }
0x12d: {  	v6 =	vld [tilespmem:s18+$0x6490];
	[tilespmem:s18+$0xFA20] =	vst v2;
	v2 =	vadd.f32 v11, v10  }
0x12e: {  	v7 =	vld [tilespmem:s18+$0xFAA0];
	v1 =	vadd.f32 v1, v16;
	[tilespmem:s18+$0xFA30] =	vst v0  }
0x12f: {  	v62 =	vld [tilespmem:s18+$0xFAB0];
	v0 =	vadd.f32 v13, v12;
	[tilespmem:s18+$0xFA40] =	vst v2  }
0x130: {  	v63 =	vld [tilespmem:s18+$0x64B0];
	v2 =	vadd.f32 v15, v14;
	[tilespmem:s18+$0xFA70] =	vst v1  }
0x131: {  	v3 =	vadd.f32 v4, v3;
	[tilespmem:s18+$0xFA50] =	vst v0;
	v0 =	vld [tilespmem:s18+$0xFAC0]  }
0x132: {  	v4 =	vadd.f32 v6, v5;
	[tilespmem:s18+$0xFA60] =	vst v2;
	v2 =	vld [tilespmem:s18+$0x64C0]  }
0x133: {  	v5 =	vadd.f32 v61, v7;
	v1 =	vld [tilespmem:s18+$0xFAD0];
	[tilespmem:s18+$0xFA80] =	vst v3  }
0x134: {  	[tilespmem:s18+$0xFA90] =	vst v4;
	v3 =	vld [tilespmem:s18+$0x64D0]  }
0x135: {  	s6 =	sor.u32 $0x2, s16;
	s7 =	simm.s32 $0x0;
	s8 =	simm.s32 $0x400;
	[tilespmem:s18+$0xFAA0] =	vst v5;
	v5 =	vadd.f32 v63, v62;
	v4 =	vld [tilespmem:s18+$0xFAE0]  }
.LBB2_7:
0x136: {  	s10 =	sshra.s32 s8, $0x2;
	v6 =	vld [tilespmem:s18+$0x64E0]  }
0x137: {  	s7 =	sadd.s32 $0x4, s7;
	v7 =	vld [tilespmem:s10+$0xFAF0];
	[tilespmem:s18+$0xFAB0] =	vst v5;
	v0 =	vadd.f32 v2, v0  }
0x138: {  	p1 =	slt.u32 s7, $0xC4;
	v2 =	vld [tilespmem:s10+$0x64F0]  }
0x139: {  	v5 =	vld [tilespmem:s10+$0xFA00];
	[tilespmem:s18+$0xFAC0] =	vst v0;
	v0 =	vadd.f32 v3, v1  }
0x13a: {  	v1 =	vld [tilespmem:s10+$0x6400]  }
0x13b: {  	v3 =	vld [tilespmem:s10+$0xFA10];
	[tilespmem:s18+$0xFAD0] =	vst v0;
	v0 =	vadd.f32 v6, v4  }
0x13c: {  	v4 =	vld [tilespmem:s10+$0x6410]  }
0x13d: {  	v6 =	vld [tilespmem:s10+$0xFA20];
	v2 =	vadd.f32 v2, v7;
	[tilespmem:s18+$0xFAE0] =	vst v0;
	s18 =	smov.u32 s10  }
0x13e: {  	v0 =	vld [tilespmem:s18+$0x6420]  }
0x13f: {  	v1 =	vadd.f32 v1, v5;
	v5 =	vld [tilespmem:s18+$0xFA30];
	[tilespmem:s18+$0xFAF0] =	vst v2  }
0x140: {  	v2 =	vld [tilespmem:s18+$0x6430]  }
0x141: {  	[tilespmem:s18+$0xFA00] =	vst v1;
	v1 =	vadd.f32 v4, v3;
	v3 =	vld [tilespmem:s18+$0xFA40]  }
0x142: {  	v4 =	vld [tilespmem:s18+$0x6440]  }
0x143: {  	[tilespmem:s18+$0xFA10] =	vst v1;
	v0 =	vadd.f32 v0, v6;
	v1 =	vld [tilespmem:s18+$0xFA50]  }
0x144: {  	v6 =	vld [tilespmem:s18+$0x6450]  }
0x145: {  	[tilespmem:s18+$0xFA20] =	vst v0;
	v0 =	vadd.f32 v2, v5;
	v2 =	vld [tilespmem:s18+$0xFA60]  }
0x146: {  	v5 =	vld [tilespmem:s18+$0x6460]  }
0x147: {  	[tilespmem:s18+$0xFA30] =	vst v0;
	v0 =	vadd.f32 v4, v3;
	v3 =	vld [tilespmem:s18+$0xFA70]  }
0x148: {  	v4 =	vld [tilespmem:s18+$0x6470]  }
0x149: {  	[tilespmem:s18+$0xFA40] =	vst v0;
	v0 =	vadd.f32 v6, v1;
	v1 =	vld [tilespmem:s18+$0xFA80]  }
0x14a: {  	v6 =	vld [tilespmem:s18+$0x6480]  }
0x14b: {  	[tilespmem:s18+$0xFA50] =	vst v0;
	v0 =	vadd.f32 v5, v2;
	v2 =	vld [tilespmem:s18+$0xFA90]  }
0x14c: {  	v5 =	vld [tilespmem:s18+$0x6490]  }
0x14d: {  	[tilespmem:s18+$0xFA60] =	vst v0;
	v0 =	vadd.f32 v4, v3;
	v3 =	vld [tilespmem:s18+$0xFAA0]  }
0x14e: {  	v4 =	vld [tilespmem:s18+$0x64A0]  }
0x14f: {  	[tilespmem:s18+$0xFA70] =	vst v0;
	v0 =	vadd.f32 v6, v1;
	v6 =	vld [tilespmem:s18+$0xFAB0]  }
0x150: {  	v7 =	vld [tilespmem:s18+$0x64B0]  }
.Ltmp2:
0x151: {  	[tilespmem:s18+$0xFA80] =	vst v0;
	v1 =	vadd.f32 v5, v2;
	v0 =	vld [tilespmem:s18+$0xFAC0];
	(pc) =	sbr.rel @p1 .LBB2_7-.Ltmp2, $4  }
0x152: {  	v2 =	vld [tilespmem:s18+$0x64C0]  }
0x153: {  	[tilespmem:s18+$0xFA90] =	vst v1;
	v4 =	vadd.f32 v4, v3;
	v1 =	vld [tilespmem:s18+$0xFAD0]  }
0x154: {  	v3 =	vld [tilespmem:s18+$0x64D0]  }
0x155: {  	s8 =	sadd.s32 $0x400, s8;
	[tilespmem:s18+$0xFAA0] =	vst v4;
	v5 =	vadd.f32 v7, v6;
	v4 =	vld [tilespmem:s18+$0xFAE0]  }
0x156: {  	v6 =	vld [tilespmem:s18+$0x64E0];
	_ =	sdelay $0x2  }
0x157: {  	v0 =	vadd.f32 v2, v0  }
0x158: {  	s6 =	sadd.s32 s4, s6;
	[tilespmem:s18+$0xFAB0] =	vst v5;
	v1 =	vadd.f32 v3, v1  }
0x159: {  	s6 =	smul.u32 $0x640, s6;
	[tilespmem:s18+$0xFAC0] =	vst v0;
	v0 =	vadd.f32 v6, v4  }
0x15a: {  	[tilespmem:s18+$0xFAD0] =	vst v1  }
0x15b: {  	s6 =	sadd.s32 s2, s6;
	[tilespmem:s18+$0xFAE0] =	vst v0  }
0x15c: {  	[hbm4b:s6+s3] =	stream.linear.scatter [tilespmem:s1], [sflag:$0x7], $0x3200, $0x38;
	[tilespmem:$0x15E00] =	vst v63  }
0x15d: {  	_ =	swait.ge [sflag:s31], $0x3200  }
0x15e: {  	s7 =	simm.s32 @!p0 $0x28;
	[sflag:s31] =	ssyncset.done $0x0  }
0x15f: {  	s8 =	simm.s32 @!p0 $0xFA00;
	s6 =	sadd.s32 @!p0 $0x4B0, s17;
	[sflag:s31] =	ssyncadd.s32 $0xFFFFCE00  }
0x160: {  	[tilespmem:s8], [sflag:$0x3] =	stream.indirect.gather @!p0 [hbm4b:s5+s7], $0x40, s6, s7, $0xb8;
	[tilespmem:$0x15E00] =	vst v63  }
0x161: {  	s6 =	sadd.s32 @!p0 $0x4D8, s17;
	s8 =	simm.s32 @!p0 $0x10400  }
0x162: {  	[tilespmem:s8], [sflag:$0x3] =	stream.indirect.gather @!p0 [hbm4b:s5+s7], $0x40, s6, s7, $0xb8;
	[tilespmem:$0x15E00] =	vst v63  }
0x163: {  	s6 =	sadd.s32 @!p0 $0x500, s17;
	s8 =	simm.s32 @!p0 $0x10E00  }
0x164: {  	[tilespmem:s8], [sflag:$0x3] =	stream.indirect.gather @!p0 [hbm4b:s5+s7], $0x40, s6, s7, $0xb8;
	[tilespmem:$0x15E00] =	vst v63  }
0x165: {  	s6 =	sadd.s32 @!p0 $0x528, s17;
	s8 =	simm.s32 @!p0 $0x11800  }
0x166: {  	[tilespmem:s8], [sflag:$0x3] =	stream.indirect.gather @!p0 [hbm4b:s5+s7], $0x40, s6, s7, $0xb8;
	[tilespmem:$0x15E00] =	vst v63  }
0x167: {  	s6 =	sadd.s32 @!p0 $0x550, s17;
	s8 =	simm.s32 @!p0 $0x12200  }
0x168: {  	[tilespmem:s8], [sflag:$0x3] =	stream.indirect.gather @!p0 [hbm4b:s5+s7], $0x40, s6, s7, $0xb8;
	[tilespmem:$0x15E00] =	vst v63  }
0x169: {  	_ =	swait.ge [sflag:s0], $0xA00  }
0x16a: {  	[sflag:s0] =	ssyncset.done $0x0  }
0x16b: {  	[sflag:s0] =	ssyncadd.s32 $0xFFFFF600  }
0x16c: {  	_ =	swait.ge [sflag:s0], $0xA00  }
0x16d: {  	[sflag:s0] =	ssyncset.done $0x0  }
0x16e: {  	[sflag:s0] =	ssyncadd.s32 $0xFFFFF600  }
0x16f: {  	_ =	swait.ge [sflag:s0], $0xA00  }
0x170: {  	[sflag:s0] =	ssyncset.done $0x0  }
0x171: {  	[sflag:s0] =	ssyncadd.s32 $0xFFFFF600  }
0x172: {  	_ =	swait.ge [sflag:s0], $0xA00  }
0x173: {  	[sflag:s0] =	ssyncset.done $0x0  }
0x174: {  	[sflag:s0] =	ssyncadd.s32 $0xFFFFF600  }
0x175: {  	_ =	swait.ge [sflag:s0], $0xA00  }
0x176: {  	[sflag:s0] =	ssyncset.done $0x0  }
0x177: {  	s16 =	simm.s32 $0x0;
	[sflag:s0] =	ssyncadd.s32 $0xFFFFF600  }
0x178: {  	v0 =	vld [tilespmem:s16+$0x12CF0]  }
0x179: {  	v1 =	vld [tilespmem:s16+$0x64F0]  }
0x17a: {  	v2 =	vld [tilespmem:s16+$0x12C00]  }
0x17b: {  	v3 =	vld [tilespmem:s16+$0x6400]  }
0x17c: {  	v4 =	vld [tilespmem:s16+$0x12C10]  }
0x17d: {  	v5 =	vld [tilespmem:s16+$0x6410]  }
0x17e: {  	v6 =	vld [tilespmem:s16+$0x12C20]  }
0x17f: {  	v7 =	vld [tilespmem:s16+$0x6420]  }
0x180: {  	v8 =	vld [tilespmem:s16+$0x12C30]  }
0x181: {  	v9 =	vld [tilespmem:s16+$0x6430]  }
0x182: {  	v10 =	vld [tilespmem:s16+$0x12C40]  }
0x183: {  	v11 =	vld [tilespmem:s16+$0x6440]  }
0x184: {  	v12 =	vld [tilespmem:s16+$0x12C50]  }
0x185: {  	v13 =	vld [tilespmem:s16+$0x6450]  }
0x186: {  	v14 =	vld [tilespmem:s16+$0x12C60]  }
0x187: {  	v15 =	vld [tilespmem:s16+$0x6460]  }
0x188: {  	v16 =	vld [tilespmem:s16+$0x12C70]  }
0x189: {  	v61 =	vld [tilespmem:s16+$0x64A0];
	v0 =	vadd.f32 v1, v0  }
0x18a: {  	v1 =	vld [tilespmem:s16+$0x6470];
	v2 =	vadd.f32 v3, v2  }
0x18b: {  	v3 =	vld [tilespmem:s16+$0x12C80];
	[tilespmem:s16+$0x12CF0] =	vst v0;
	v0 =	vadd.f32 v5, v4  }
0x18c: {  	v4 =	vld [tilespmem:s16+$0x6480];
	[tilespmem:s16+$0x12C00] =	vst v2;
	v2 =	vadd.f32 v7, v6  }
0x18d: {  	v5 =	vld [tilespmem:s16+$0x12C90];
	[tilespmem:s16+$0x12C10] =	vst v0;
	v0 =	vadd.f32 v9, v8  }
0x18e: {  	v6 =	vld [tilespmem:s16+$0x6490];
	[tilespmem:s16+$0x12C20] =	vst v2;
	v2 =	vadd.f32 v11, v10  }
0x18f: {  	v7 =	vld [tilespmem:s16+$0x12CA0];
	v1 =	vadd.f32 v1, v16;
	[tilespmem:s16+$0x12C30] =	vst v0  }
0x190: {  	v62 =	vld [tilespmem:s16+$0x12CB0];
	v0 =	vadd.f32 v13, v12;
	[tilespmem:s16+$0x12C40] =	vst v2  }
0x191: {  	v63 =	vld [tilespmem:s16+$0x64B0];
	v2 =	vadd.f32 v15, v14;
	[tilespmem:s16+$0x12C70] =	vst v1  }
0x192: {  	v3 =	vadd.f32 v4, v3;
	[tilespmem:s16+$0x12C50] =	vst v0;
	v0 =	vld [tilespmem:s16+$0x12CC0]  }
0x193: {  	v4 =	vadd.f32 v6, v5;
	[tilespmem:s16+$0x12C60] =	vst v2;
	v2 =	vld [tilespmem:s16+$0x64C0]  }
0x194: {  	v1 =	vld [tilespmem:s16+$0x12CD0];
	[tilespmem:s16+$0x12C80] =	vst v3;
	v3 =	vadd.f32 v61, v7  }
0x195: {  	[tilespmem:s16+$0x12C90] =	vst v4;
	v4 =	vld [tilespmem:s16+$0x64D0]  }
0x196: {  	s6 =	simm.s32 $0x0;
	s7 =	simm.s32 $0x400;
	v5 =	vadd.f32 v63, v62;
	[tilespmem:s16+$0x12CA0] =	vst v3;
	v3 =	vld [tilespmem:s16+$0x12CE0]  }
.LBB2_9:
0x197: {  	s8 =	sshra.s32 s7, $0x2;
	v6 =	vld [tilespmem:s16+$0x64E0]  }
0x198: {  	s6 =	sadd.s32 $0x4, s6;
	v7 =	vld [tilespmem:s8+$0x12CF0];
	[tilespmem:s16+$0x12CB0] =	vst v5;
	v0 =	vadd.f32 v2, v0  }
0x199: {  	p0 =	slt.u32 s6, $0xC4;
	v2 =	vld [tilespmem:s8+$0x64F0]  }
0x19a: {  	v5 =	vld [tilespmem:s8+$0x12C00];
	[tilespmem:s16+$0x12CC0] =	vst v0;
	v0 =	vadd.f32 v4, v1  }
0x19b: {  	v1 =	vld [tilespmem:s8+$0x6400]  }
0x19c: {  	v4 =	vld [tilespmem:s8+$0x12C10];
	[tilespmem:s16+$0x12CD0] =	vst v0;
	v0 =	vadd.f32 v6, v3  }
0x19d: {  	v3 =	vld [tilespmem:s8+$0x6410]  }
0x19e: {  	v6 =	vld [tilespmem:s8+$0x12C20];
	v2 =	vadd.f32 v2, v7;
	[tilespmem:s16+$0x12CE0] =	vst v0;
	s16 =	smov.u32 s8  }
0x19f: {  	v0 =	vld [tilespmem:s16+$0x6420]  }
0x1a0: {  	v1 =	vadd.f32 v1, v5;
	v5 =	vld [tilespmem:s16+$0x12C30];
	[tilespmem:s16+$0x12CF0] =	vst v2  }
0x1a1: {  	v2 =	vld [tilespmem:s16+$0x6430]  }
0x1a2: {  	[tilespmem:s16+$0x12C00] =	vst v1;
	v1 =	vadd.f32 v3, v4;
	v3 =	vld [tilespmem:s16+$0x12C40]  }
0x1a3: {  	v4 =	vld [tilespmem:s16+$0x6440]  }
0x1a4: {  	[tilespmem:s16+$0x12C10] =	vst v1;
	v0 =	vadd.f32 v0, v6;
	v1 =	vld [tilespmem:s16+$0x12C50]  }
0x1a5: {  	v6 =	vld [tilespmem:s16+$0x6450]  }
0x1a6: {  	[tilespmem:s16+$0x12C20] =	vst v0;
	v0 =	vadd.f32 v2, v5;
	v2 =	vld [tilespmem:s16+$0x12C60]  }
0x1a7: {  	v5 =	vld [tilespmem:s16+$0x6460]  }
0x1a8: {  	[tilespmem:s16+$0x12C30] =	vst v0;
	v0 =	vadd.f32 v4, v3;
	v3 =	vld [tilespmem:s16+$0x12C70]  }
0x1a9: {  	v4 =	vld [tilespmem:s16+$0x6470]  }
0x1aa: {  	[tilespmem:s16+$0x12C40] =	vst v0;
	v0 =	vadd.f32 v6, v1;
	v1 =	vld [tilespmem:s16+$0x12C80]  }
0x1ab: {  	v6 =	vld [tilespmem:s16+$0x6480]  }
0x1ac: {  	[tilespmem:s16+$0x12C50] =	vst v0;
	v0 =	vadd.f32 v5, v2;
	v2 =	vld [tilespmem:s16+$0x12C90]  }
0x1ad: {  	v5 =	vld [tilespmem:s16+$0x6490]  }
0x1ae: {  	[tilespmem:s16+$0x12C60] =	vst v0;
	v0 =	vadd.f32 v4, v3;
	v3 =	vld [tilespmem:s16+$0x12CA0]  }
0x1af: {  	v4 =	vld [tilespmem:s16+$0x64A0]  }
0x1b0: {  	[tilespmem:s16+$0x12C70] =	vst v0;
	v0 =	vadd.f32 v6, v1;
	v6 =	vld [tilespmem:s16+$0x12CB0]  }
0x1b1: {  	v7 =	vld [tilespmem:s16+$0x64B0]  }
.Ltmp3:
0x1b2: {  	[tilespmem:s16+$0x12C80] =	vst v0;
	v1 =	vadd.f32 v5, v2;
	v0 =	vld [tilespmem:s16+$0x12CC0];
	(pc) =	sbr.rel @p0 .LBB2_9-.Ltmp3, $4  }
0x1b3: {  	v2 =	vld [tilespmem:s16+$0x64C0]  }
0x1b4: {  	[tilespmem:s16+$0x12C90] =	vst v1;
	v3 =	vadd.f32 v4, v3;
	v1 =	vld [tilespmem:s16+$0x12CD0]  }
0x1b5: {  	v4 =	vld [tilespmem:s16+$0x64D0]  }
0x1b6: {  	s7 =	sadd.s32 $0x400, s7;
	[tilespmem:s16+$0x12CA0] =	vst v3;
	v5 =	vadd.f32 v7, v6;
	v3 =	vld [tilespmem:s16+$0x12CE0]  }
0x1b7: {  	v6 =	vld [tilespmem:s16+$0x64E0];
	_ =	sdelay $0x1  }
0x1b8: {  	s14 =	sadd.s32 $0x1, s14  }
0x1b9: {  	v0 =	vadd.f32 v2, v0;
	p0 =	sne.s32 s14, $0x20  }
.Ltmp4:
0x1ba: {  	s6 =	sadd.s32 s4, s15;
	[tilespmem:s16+$0x12CB0] =	vst v5;
	v1 =	vadd.f32 v4, v1;
	(pc) =	sbr.rel @p0 .LBB2_2-.Ltmp4, $4  }
0x1bb: {  	s6 =	smul.u32 $0x640, s6;
	[tilespmem:s16+$0x12CC0] =	vst v0;
	v63 =	vadd.f32 v6, v3  }
0x1bc: {  	[tilespmem:s16+$0x12CD0] =	vst v1  }
0x1bd: {  	s6 =	sadd.s32 s2, s6;
	[tilespmem:s16+$0x12CE0] =	vst v63  }
0x1be: {  	[hbm4b:s6+s3] =	stream.linear.scatter [tilespmem:s19], [sflag:$0x8], $0x3200, $0x38;
	[tilespmem:$0x15E00] =	vst v63  }
0x1bf: {  	s7 =	simm.s32 $0x8  }
0x1c0: {  	_ =	swait.ge [sflag:s7], $0x3200  }
0x1c1: {  	s13 =	sadd.s32 $0x1, s13;
	s6 =	rddreg [dreg:$0x5]  }
0x1c2: {  	p0 =	sne.s32 s13, s6  }
.Ltmp5:
0x1c3: {  	_ = 	snop;
	(pc) =	sbr.rel @p0 .LBB2_1-.Ltmp5, $3  }
0x1c4: {  	_ =	sdelay $0x1  }
0x1c5: {  	[sflag:s7] =	ssyncset.done $0x0  }
0x1c6: {  	[sflag:s7] =	ssyncadd.s32 $0xFFFFCE00  }
0x1c7: {  	_ =	sfence.sel $0x180000  }
0x1c8: {  	[bflag:$0x0] =	sbarrier.arrive $0xFFFF  }
0x1c9: {  	_ =	strace $0x90000047  }
0x1ca: {  	s0 =	stileid.u32;
	[bflag:$0x2] =	sbarrier.arrive $0xFFFF  }
0x1cb: {  	p0 =	sne.s32 s0, $0x0;
	s0 =	rddreg [dreg:$0x2]  }
0x1cc: {  	s0 =	sadd.s32 @!p0 $0x100000, s0  }
0x1cd: {  	[sflag:s0] =	ssyncadd.tile.s32 @!p0 $0x1;
	_ =	shalt  }
.Lfunc_end2:
_tile_overlayer_lowered:
.L_overlay_start_2:
0x1ce: {  	(tag) =	ssettag $0x2  }
0x1cf: {  	s0 =	rddreg [dreg:$0x0];
	s2 =	stileid.u32  }
0x1d0: {  	s1 =	rddreg [dreg:$0x1];
	p0 =	sne.s32 s2, $0x0  }
0x1d1: {  	s3 =	rddreg [dreg:$0x2];
	[bflag:$0x3] =	sbarrier.arrive $0xFFFF;
	s2 =	simm.s32 @!p0 $0x1C09  }
0x1d2: {  	[timem:s3], [sflag:s2] =	dma.local @!p0 [hbm:s0], s1  }
0x1d3: {  	s0 =	simm.s32 @!p0 $0x9  }
0x1d4: {  	_ =	swait.ge @!p0 [sflag:s0], s1  }
0x1d5: {  	s1 =	ssub.s32 @!p0 $0x0, s1;
	[sflag:s0] =	ssyncset.done @!p0 $0x0  }
0x1d6: {  	[sflag:s0] =	ssyncadd.s32 @!p0 s1  }
0x1d7: {  	[bflag:$0x3] =	sbarrier.arrive $0xFFFF  }
0x1d8: {  	_ =	shalt  }

// kernel: sparse-core-data-format-call.cloned.1.call-start
scs
called_computation_lowered:
.L_overlay_start_0:
0x0: {  	s2 =	sld [smem:$0x3FD9]  }
0x1: {  	s3 =	sld [smem:$0x3FFE];
	_ =	sdelay $0x1  }
0x2: {  	s1 =	srdreg.scid  }
0x3: {  	s0 =	sand.u32 $0x1, s1  }
0x4: {  	s18 =	sshll.u32 s0, $0xA;
	s2 =	sadd.s32 s3, s2  }
0x5: {  	s2 =	sadd.s32 s2, s18  }
0x6: {  	[smem:$0x3FC5] =	sst s2  }
0x7: {  	_ = 	snop  }
0x8: {  	s2 =	sld [smem:$0x3FD0];
	(tm) =	ssettm $0x1  }
0x9: {  	s19 =	sld [smem:$0x3FFB];
	_ =	sdelay $0x3  }
0xa: {  	_ =	strace s19  }
0xb: {  	s3 =	sld [smem:$0x3FFC];
	_ =	sdelay $0x3  }
0xc: {  	_ =	strace s3  }
0xd: {  	s3 =	sld [smem:$0x3FFD];
	_ =	sdelay $0x3  }
0xe: {  	_ =	strace s3  }
0xf: {  	_ =	strace $0x8FFFFFFF  }
0x10: {  	s20 =	sld [smem:$0x3FDB];
	_ =	sdelay $0x1  }
0x11: {  	s4 =	simm.s32 $_scs_section_size  }
0x12: {  	s5 =	simm.s32 $_size__tile_overlayer_lowered;
	s6 =	simm.s32 $_tile_overlayer_lowered  }
0x13: {  	s23 =	simm.s32 $0x1BFF;
	s22 =	sshll.u32 s6, $0x1;
	s3 =	sadd.s32 s4, s20  }
0x14: {  	s7 =	simm.s32 $0x0;
	s21 =	sshll.u32 s5, $0x1;
	s5 =	sadd.s32 s22, s3  }
0x15: {  	[timem:s7], [sflag:s23] =	dma.local [hbm:s5], s21  }
0x16: {  	_ =	swait.ge [sflag:s23], s21  }
0x17: {  	s4 =	ssub.s32 $0x0, s21;
	[sflag:s23] =	ssyncset.done $0x0  }
0x18: {  	[sflag:s23] =	ssyncadd.s32 s4;
	_ =	sdelay $0x1  }
0x19: {  	s24 =	simm.s32 $0x1B8B  }
0x1a: {  	_ =	swait.ge [sflag:s24], $0x1  }
0x1b: {  	[sflag:s24] =	ssyncset.done $0x0  }
0x1c: {  	s26 =	simm.s32 $0x1B8E;
	s25 =	sld [smem:$0x3FFE];
	[sflag:s24] =	ssyncadd.s32 $0xFFFFFFFF  }
0x1d: {  	s27 =	simm.s32 $execute0_lowered;
	[smem:$0x3FD2] =	sst s26  }
0x1e: {  	s5 =	sshll.u32 s27, $0x1;
	_ =	strace $0x80000049;
	[dreg:$0x1] =	wrdreg $0xFFFFFFFF  }
0x1f: {  	s28 =	simm.s32 $_size_execute0_lowered;
	s3 =	sadd.s32 s3, s5;
	[dreg:$0x0] =	wrdreg $0x0  }
0x20: {  	s5 =	sshll.u32 s28, $0x1;
	[dreg:$0x2] =	wrdreg s3  }
0x21: {  	[dreg:$0x3] =	wrdreg s5  }
0x22: {  	[dreg:$0x4] =	wrdreg $0xC0  }
0x23: {  	_ =	task [dreg:s7], $0x5FFFF  }
0x24: {  	[dreg:$0x1] =	wrdreg $0xFFFFFFFF  }
0x25: {  	[dreg:$0x0] =	wrdreg $0x60  }
0x26: {  	[dreg:$0x2] =	wrdreg s25  }
0x27: {  	[dreg:$0x3] =	wrdreg s2  }
0x28: {  	[dreg:$0x4] =	wrdreg $0x9  }
0x29: {  	_ =	task.clear_ibuf [dreg:s7], $0x5FFFF;
	_ =	strace $0x90000049  }
0x2a: {  	s29 =	simm.s32 $0x9;
	_ =	strace $0x8000004B  }
0x2b: {  	_ =	swait.ge [sflag:s29], $0x1  }
0x2c: {  	[sflag:s29] =	ssyncadd.s32 $0xFFFFFFFF  }
0x2d: {  	_ =	strace $0x9000004B  }
0x2e: {  	_ =	sfence  }
0x2f: {  	s30 =	sld [smem:$0x0];
	_ =	sdelay $0x2  }
0x30: {  	s31 =	sshll.u32 s1, $0xD;
	s1 =	sshrl.u32 s1, $0x2  }
0x31: {  	s3 =	sand.u32 $0x4000, s31;
	s1 =	sadd.s32 s1, s30  }
0x32: {  	s0 =	sor.u32 s3, s0;
	s1 =	sshll.u32 s1, $0x11  }
0x33: {  	s0 =	sor.u32 s1, s0  }
0x34: {  	s0 =	sadd.s32 $0x8F2B, s0  }
0x35: {  	[sflag:s0] =	ssyncadd.remote.s32 $0x1  }
0x36: {  	_ =	sfence.sel $0xFFFF  }
0x37: {  	[dreg:$0x0] =	wrdreg $0xFFFFFFFF;
	(pc) =	sbr.abs _section_cstart, $3  }
0x38: {  	[dreg:$0x1] =	wrdreg $0xFFFFFFFF  }
0x39: {  	_ =	task.clear_ibuf [dreg:s7], $0x2FFFF;
	_ =	strace $0x9FFFFFFF  }
0x3a: {  	(tm) =	ssettm $0x7FFFFFFF  }
0x3b: {  	_ =	shalt  }
tec
execute0_lowered:
.L_overlay_start_1:
0x0: {  	(tag) =	ssettag $0x1  }
0x1: {  	s0 =	srdreg.scid  }
0x2: {  	s1 =	sshll.u32 s0, $0x4  }
0x3: {  	s0 =	stileid.u32;
	s1 =	sand.u32 $0x10, s1  }
0x4: {  	s1 =	sor.u32 s0, s1  }
0x5: {  	s6 =	rddreg [dreg:$0x0];
	s4 =	simm.s32 $0x1;
	s2 =	sshll.u32 s1, $0x7  }
0x6: {  	s7 =	simm.s32 $0x2;
	s12 =	simm.s32 $0x0;
	s1 =	ssub.s32 $0x1000, s2  }
0x7: {  	s8 =	simm.s32 $0x8000;
	s13 =	simm.s32 $0x0;
	s3 =	sand.u32 $0xF80, s1  }
0x8: {  	s9 =	simm.s32 $0x0;
	s5 =	sshrl.u32 s1, $0xC;
	p0 =	sne.s32 s3, $0x0  }
.Ltmp0:
0x9: {  	s1 =	rddreg [dreg:$0x2];
	s4 =	simm.s32 @!p0 $0x0;
	(pc) =	sbr.rel .LBB1_1-.Ltmp0, $4  }
0xa: {  	s11 =	simm.s32 $0x0;
	s3 =	rddreg [dreg:$0x1];
	s5 =	sadd.s32 s4, s5  }
0xb: {  	_ =	strace $0x8000004A;
	s4 =	simm.s32 $0x1;
	s5 =	smul.u32 $0xC8, s5  }
0xc: {  	s6 =	sadd.s32 $0xC00, s6;
	s10 =	smov.u32 s2;
	[sflag:s4] =	ssyncpa.u1 $0x0  }
0xd: {  	p0 =	por $0x0, $0x0;
	[sflag:s7] =	ssyncpa.u1 $0x0;
	s7 =	sor.u32 $0x1, s5  }
.LBB1_4:
0xe: {  	s16 =	sshll.u32 s13, $0x3;
	s17 =	sand.u32 $0x78, s13  }
0xf: {  	s30 =	sand.u32 $0x7E00, s13;
	s12 =	sshll.u32 s12, $0xF;
	s16 =	sand.u32 $0xC00, s16  }
0x10: {  	[tilespmem:s15+$0x810 ss:$0x81] =	vst.msk $0xffff, v2;
	s31 =	sand.u32 $0x7, s13;
	s16 =	sor.u32 s17, s16;
	s17 =	sadd.s32 s3, s30  }
0x11: {  	[tilespmem:s15+$0x1020 ss:$0x81] =	vst.msk $0xffff, v0;
	s13 =	sshll.u32 s31, $0x12;
	s12 =	sadd.s32 s12, s17;
	s16 =	sshrl.u32 s16, $0x3  }
0x12: {  	[tilespmem:s15+$0x0 ss:$0x81] =	vst.msk $0xffff, v1;
	s13 =	sor.u32 $0x400, s13;
	s12 =	sadd.s32 s16, s12  }
0x13: {  	[hbm4b:s12+s13] =	stream.strided.scatter [tilespmem:s14], [sflag:$0x2], $0x2000, s8, s13, $0x20;
	[tilespmem:$0x8080] =	vst v63  }
.LBB1_5:
0x14: {  	s14 =	sadd.s32 $0x1, s9  }
0x15: {  	s12 =	sadd.s32 $0x1000, s10;
	s16 =	smov.u32 s10;
	p2 =	sgt.s32 s14, $0xC7  }
0x16: {  	s16 =	smov.u32 @p2 s12  }
0x17: {  	s14 =	simm.s32 @p2 $0x0;
	p2 =	sgt.s32 s16, $0xFFF  }
0x18: {  	s16 =	smov.u32 @p2 s2;
	p2 =	sne.s32 s11, s7  }
.Ltmp1:
0x19: {  	p1 =	slt.u32 s11, $0x2;
	(pc) =	sbr.rel @!p2 .LBB1_6-.Ltmp1, $4  }
0x1a: {  	s15 =	simm.s32 @!p1 $0x2  }
0x1b: {  	s13 =	smov.u32 s10;
	p0 =	por !p0, !p0;
	_ =	swait.ge @!p1 [sflag:s15], $0x2000  }
0x1c: {  	s12 =	smov.u32 s9;
	[sflag:s15] =	ssyncset.done @!p1 $0x0;
	s9 =	smov.u32 s14  }
0x1d: {  	s11 =	sadd.s32 $0x1, s11;
	[sflag:s15] =	ssyncadd.s32 @!p1 $0xFFFFE000;
	s10 =	smov.u32 s16  }
.LBB1_1:
0x1e: {  	p1 =	sge.u32 s11, s5  }
0x1f: {  	s14 =	sand.u32 @!p1 $0x1FFFFFF, s9  }
0x20: {  	s15 =	smulhi.u32 @!p1 $0x147AE15, s14;
	_ =	sdelay $0x1  }
0x21: {  	s15 =	smul.u32 @!p1 $0xC8, s15  }
0x22: {  	s16 =	sxor.u32 @!p1 $0xFFFFFFFF, s11;
	s17 =	smul.u32 @!p1 $0xC80, s10  }
0x23: {  	s31 =	sadd.s32 $0xFFFFFFFF, s11;
	s16 =	sshll.u32 @!p1 s16, $0xD;
	s14 =	ssub.s32 @!p1 s14, s15  }
0x24: {  	s15 =	sand.u32 @!p1 $0x2000, s16;
	s16 =	sadd.s32 @!p1 s6, s17;
	s14 =	sshll.u32 @!p1 s14, $0x4  }
0x25: {  	s17 =	simm.s32 @!p1 $0x6400;
	s14 =	sadd.s32 @!p1 s14, s16;
	s16 =	simm.s32 @!p1 $0x40  }
0x26: {  	[tilespmem:s15], [sflag:$0x1] =	stream.strided.gather @!p1 [hbm4b:s14+s16], $0x2000, s17, s16, $0x38;
	[tilespmem:$0x8080] =	vst v63  }
0x27: {  	p1 =	sge.u32 s31, s5  }
.Ltmp2:
0x28: {  	_ = 	snop;
	(pc) =	sbr.rel @p1 .LBB1_5-.Ltmp2, $1  }
0x29: {  	_ =	sdelay $0x3  }
0x2a: {  	s14 =	simm.s32 $0x1  }
0x2b: {  	_ =	swait.ge [sflag:s4], $0x2000;
	s14 =	simm.s32 @!p0 $0x0  }
0x2c: {  	[sflag:s4] =	ssyncset.done $0x0;
	s15 =	sshll.u32 s14, $0xD  }
0x2d: {  	[sflag:s4] =	ssyncadd.s32 $0xFFFFE000;
	s18 =	sor.u32 $0x20, s15  }
0x2e: {  	s14 =	smul.u32 $0x8100, s14;
	v3 =	vld [tilespmem:s18+$0x10]  }
0x2f: {  	s30 =	sand.u32 $0x1, s11;
	v2 =	vld [tilespmem:s18+$0xFFFFFFF0]  }
0x30: {  	s15 =	smul.u32 $0x8100, s30;
	s14 =	sshrl.u32 s14, $0x2;
	v0 =	vld [tilespmem:s18+$0x0]  }
0x31: {  	v1 =	vld [tilespmem:s18+$0xFFFFFFE0];
	s16 =	sor.u32 $0x4000, s14  }
0x32: {  	s31 =	sshrl.u32 s15, $0x2;
	s15 =	sadd.s32 $0x0, s16  }
0x33: {  	s17 =	simm.s32 $0x4;
	s18 =	sadd.s32 $0x40, s18;
	s14 =	sor.u32 $0x4000, s31;
	[tilespmem:s15+$0x1830 ss:$0x81] =	vst.msk $0xffff, v3  }
.LBB1_3:
0x34: {  	v3 =	vld [tilespmem:s18+$0x10];
	p1 =	sne.s32 s17, $0x1FC;
	[tilespmem:s15+$0x810 ss:$0x81] =	vst.msk $0xffff, v2;
	s19 =	smov.u32 s17;
	s17 =	sadd.s32 $0x4, s17  }
.Ltmp3:
0x35: {  	v2 =	vld [tilespmem:s18+$0xFFFFFFF0];
	[tilespmem:s15+$0x1020 ss:$0x81] =	vst.msk $0xffff, v0;
	(pc) =	sbr.rel @p1 .LBB1_3-.Ltmp3, $4  }
0x36: {  	v0 =	vld [tilespmem:s18+$0x0];
	[tilespmem:s15+$0x0 ss:$0x81] =	vst.msk $0xffff, v1  }
0x37: {  	s15 =	sshra.s32 s19, $0x2;
	v1 =	vld [tilespmem:s18+$0xFFFFFFE0]  }
0x38: {  	s15 =	sadd.s32 s15, s16  }
0x39: {  	s18 =	sadd.s32 $0x40, s18;
	[tilespmem:s15+$0x1830 ss:$0x81] =	vst.msk $0xffff, v3  }
.Ltmp4:
0x3a: {  	_ = 	snop;
	(pc) =	sbr.rel .LBB1_4-.Ltmp4, $1  }
0x3b: {  	_ =	sdelay $0x3  }
.LBB1_6:
0x3c: {  	_ =	sfence.sel $0x180000  }
0x3d: {  	s2 =	simm.s32 $0x1;
	[bflag:$0x0] =	sbarrier.arrive $0xFFFF  }
0x3e: {  	s31 =	simm.s32 $0x2;
	[sflag:s2] =	ssyncpa.u1 $0x1  }
0x3f: {  	[sflag:s31] =	ssyncpa.u1 $0x1  }
0x40: {  	p0 =	sne.s32 s0, $0x0;
	_ =	strace $0x9000004A  }
0x41: {  	s0 =	sadd.s32 @!p0 $0x100000, s1;
	[bflag:$0x2] =	sbarrier.arrive $0xFFFF  }
0x42: {  	[sflag:s0] =	ssyncadd.tile.s32 @!p0 $0x1;
	_ =	shalt  }
.Lfunc_end1:
_tile_overlayer_lowered:
.L_overlay_start_2:
0x43: {  	(tag) =	ssettag $0x2  }
0x44: {  	s0 =	rddreg [dreg:$0x0];
	s2 =	stileid.u32  }
0x45: {  	s1 =	rddreg [dreg:$0x1];
	p0 =	sne.s32 s2, $0x0  }
0x46: {  	s3 =	rddreg [dreg:$0x2];
	[bflag:$0x3] =	sbarrier.arrive $0xFFFF;
	s2 =	simm.s32 @!p0 $0x1C01  }
0x47: {  	[timem:s3], [sflag:s2] =	dma.local @!p0 [hbm:s0], s1  }
0x48: {  	s0 =	simm.s32 @!p0 $0x1  }
0x49: {  	_ =	swait.ge @!p0 [sflag:s0], s1  }
0x4a: {  	s1 =	ssub.s32 @!p0 $0x0, s1;
	[sflag:s0] =	ssyncset.done @!p0 $0x0  }
0x4b: {  	[sflag:s0] =	ssyncadd.s32 @!p0 s1  }
0x4c: {  	[bflag:$0x3] =	sbarrier.arrive $0xFFFF  }
0x4d: {  	_ =	shalt  }

</sc_bundles>
